<compile_context>
chip_gen: v7x
topology: tpu7x:2x2x1
jax: 0.10.2.dev20260603
libtpu: 0.0.44.dev20260713+nightly
codegen_flags: <defaults>
</compile_context>

<pallas_src>
import functools

import jax
import jax.numpy as jnp
from jax import lax
from jax.experimental import pallas as pl
from jax.experimental.pallas import tpu as pltpu
from jax.experimental.pallas import tpu_sc as plsc

B, N, TOPN, IN_DIM, HID = 32, 512, 8, 4, 8
L = 16
NCHUNK = N // L
BIG = 3.0e38

_GDN = lax.GatherDimensionNumbers(
    offset_dims=(), collapsed_slice_dims=(0,), start_index_map=(0,))


def _vperm(x, idx):
    return lax.gather(x, idx[:, None], _GDN, (1,),
                      mode=lax.GatherScatterMode.PROMISE_IN_BOUNDS)


def _sc_body(o1x_hbm, o1y_hbm, o2x_hbm, o2y_hbm, wrep_hbm, brep_hbm, out_hbm,
             o2x, o2y, vx, vy, wrep, brep, out_stage):
    wid = lax.axis_index("s") * 2 + lax.axis_index("c")

    pltpu.sync_copy(o2x_hbm.at[wid], o2x)
    pltpu.sync_copy(o2y_hbm.at[wid], o2y)
    pltpu.sync_copy(o1x_hbm.at[wid], vx)
    pltpu.sync_copy(o1y_hbm.at[wid], vy)
    pltpu.sync_copy(wrep_hbm, wrep)
    pltpu.sync_copy(brep_hbm, brep)

    def vel_body(c, _):
        s = pl.ds(c * L, L)
        vx[s] = o2x[s] - vx[s]
        vy[s] = o2y[s] - vy[s]
        return 0
    lax.fori_loop(0, NCHUNK, vel_body, 0, unroll=4)

    w0 = wrep[0]
    w1 = wrep[1]
    w2 = wrep[2]
    w3 = wrep[3]
    bv = brep[:]

    iota = lax.iota(jnp.int32, L)
    half = iota >> 3
    lo_half = half == 0
    rev = 15 - iota

    big = jnp.full((L,), BIG, dtype=jnp.float32)
    zero_i = jnp.zeros((L,), dtype=jnp.int32)

    RPI = 4

    def row_body(t, _):
        rows = [RPI * t + r for r in range(RPI)]
        ivecs = [jnp.full((L,), i, dtype=jnp.int32) for i in rows]
        xis = [plsc.load_gather(o2x, [iv]) for iv in ivecs]
        yis = [plsc.load_gather(o2y, [iv]) for iv in ivecs]

        init = (big, zero_i, big, zero_i, big, zero_i, big, zero_i) * RPI

        def pair_body(cp, carry):
            accs = list(carry)
            for par in range(2):
                c = 2 * cp + par
                s = pl.ds(c * L, L)
                jv = iota + c * L
                ox = o2x[s]
                oy = o2y[s]
                for r in range(RPI):
                    dx = ox - xis[r]
                    dy = oy - yis[r]
                    d2 = dx * dx + dy * dy
                    base = r * 8 + par * 4
                    pd, pi = accs[base], accs[base + 1]
                    qd, qi = accs[base + 2], accs[base + 3]
                    pd, pi = plsc.sort_key_val(jnp.where(lo_half, d2, pd),
                                               jnp.where(lo_half, jv, pi),
                                               descending=True)
                    qd, qi = plsc.sort_key_val(jnp.where(lo_half, qd, d2),
                                               jnp.where(lo_half, qi, jv))
                    accs[base], accs[base + 1] = pd, pi
                    accs[base + 2], accs[base + 3] = qd, qi
            return tuple(accs)

        accs = lax.fori_loop(0, NCHUNK // 2, pair_body, init, unroll=2)

        for r in range(RPI):
            pd, pi, qd, qi, rd, ri, sd, si = accs[r * 8:(r + 1) * 8]
            pd = jnp.where(pd == 0.0, BIG, pd)
            qd = jnp.where(qd == 0.0, BIG, qd)
            rd = jnp.where(rd == 0.0, BIG, rd)
            sd = jnp.where(sd == 0.0, BIG, sd)
            ad, ai = plsc.sort_key_val(jnp.where(lo_half, qd, pd),
                                       jnp.where(lo_half, qi, pi),
                                       descending=True)
            bd, bi = plsc.sort_key_val(jnp.where(lo_half, sd, rd),
                                       jnp.where(lo_half, si, ri))
            md, mi = plsc.sort_key_val(jnp.where(lo_half, bd, ad),
                                       jnp.where(lo_half, bi, ai),
                                       descending=True)
            best_i = _vperm(mi, rev)

            vxi = plsc.load_gather(vx, [ivecs[r]])
            vyi = plsc.load_gather(vy, [ivecs[r]])
            obase = rows[r] * (TOPN * HID)
            pall_x = plsc.load_gather(o2x, [best_i])
            pall_y = plsc.load_gather(o2y, [best_i])
            vall_x = plsc.load_gather(vx, [best_i])
            vall_y = plsc.load_gather(vy, [best_i])
            for v in range(TOPN // 2):
                sel = half + (2 * v)
                if v < 2:
                    jlane = _vperm(best_i, sel)
                    px = plsc.load_gather(o2x, [jlane]) - xis[r]
                    py = plsc.load_gather(o2y, [jlane]) - yis[r]
                    fvx = plsc.load_gather(vx, [jlane]) - vxi
                    fvy = plsc.load_gather(vy, [jlane]) - vyi
                else:
                    px = _vperm(pall_x, sel) - xis[r]
                    py = _vperm(pall_y, sel) - yis[r]
                    fvx = _vperm(vall_x, sel) - vxi
                    fvy = _vperm(vall_y, sel) - vyi
                h = bv + px * w0 + py * w1 + fvx * w2 + fvy * w3
                out_stage[pl.ds(obase + v * L, L)] = jnp.maximum(h, 0.0)
        return 0

    lax.fori_loop(0, N // RPI, row_body, 0)

    pltpu.sync_copy(out_stage, out_hbm.at[pl.ds(wid * N * TOPN * HID,
                                                N * TOPN * HID)])


@jax.jit
def kernel(_, obs1, obs2, W, b):
    o1x = obs1[:, :, 0]
    o1y = obs1[:, :, 1]
    o2x = obs2[:, :, 0]
    o2y = obs2[:, :, 1]
    wrep = jnp.concatenate([W, W], axis=1)
    brep = jnp.concatenate([b, b])

    mesh = plsc.VectorSubcoreMesh(core_axis_name="c", subcore_axis_name="s",
                                  num_cores=2, num_subcores=16)
    run = pl.kernel(
        _sc_body,
        out_type=jax.ShapeDtypeStruct((B * N * TOPN * HID,), jnp.float32),
        mesh=mesh,
        scratch_types=[
            pltpu.VMEM((N,), jnp.float32),
            pltpu.VMEM((N,), jnp.float32),
            pltpu.VMEM((N,), jnp.float32),
            pltpu.VMEM((N,), jnp.float32),
            pltpu.VMEM((IN_DIM, L), jnp.float32),
            pltpu.VMEM((L,), jnp.float32),
            pltpu.VMEM((N * TOPN * HID,), jnp.float32),
        ],
        compiler_params=pltpu.CompilerParams(needs_layout_passes=False),
    )
    out = run(o1x, o1y, o2x, o2y, wrep, brep)
    return out.reshape(B * N, TOPN * HID)

# --- scband reference (transcript-rebuilt; emitter-appended) ---
"""Pipeline reference for scband-nearest-neighbor-mlp-34772055228495 (READ-ONLY COPY).

The authoritative reference and input builder live on the scoring server;
editing this copy changes nothing except your own understanding.
"""

import jax, jax.numpy as jnp
import numpy as np

B, N, TOPN, IN_DIM, HID = 32, 512, 8, 4, 8


def _delete_diagonal(x):
    # x: [B, N, N, d] -> [B, N, N-1, d], drop j == i entries
    b, n = x.shape[0], x.shape[1]
    idx = np.array([[j for j in range(n) if j != i] for i in range(n)], dtype=np.int32)  # [N, N-1]
    idx_b = jnp.broadcast_to(jnp.asarray(idx)[None, :, :, None], (b, n, n - 1, x.shape[-1]))
    return jnp.take_along_axis(x, idx_b, axis=2)


def setup_inputs(seed: int = 0) -> dict:
    key = jax.random.key(seed)
    k1, k2, k3 = jax.random.split(key, 3)
    obs1 = jax.random.normal(k1, (B, N, 2), dtype=jnp.float32)
    obs2 = jax.random.normal(k2, (B, N, 2), dtype=jnp.float32)
    W = jax.random.normal(k3, (IN_DIM, HID), dtype=jnp.float32) * (1.0 / np.sqrt(IN_DIM))
    b = jnp.zeros((HID,), dtype=jnp.float32)
    return {"_": jnp.zeros((1,), dtype=jnp.float32), "obs1": obs1, "obs2": obs2, "W": W, "b": b}


def reference(_, obs1, obs2, W, b):
    batch_size, num_tracks = obs2.shape[0], obs2.shape[1]
    # rel_obs: relative[b, i, j] = obs2[b, j] - obs2[b, i]
    rel_position = obs2[:, None, :, :] - obs2[:, :, None, :]
    rel_position = _delete_diagonal(rel_position)
    # rel_directional
    vel = obs2 - obs1
    rel_direction = vel[:, None, :, :] - vel[:, :, None, :]
    rel_direction = _delete_diagonal(rel_direction)
    overall_grid = jnp.concatenate([rel_position, rel_direction], axis=-1)  # [B, N, N-1, 4]
    rel_distance = jnp.linalg.norm(rel_position, axis=-1)
    rel_distance = jnp.nan_to_num(rel_distance, nan=1000.0)
    # N-1 >= TOPN branch
    _vals, dist_index = jax.lax.top_k(-rel_distance, TOPN)  # [B, N, TOPN]
    idx = jnp.broadcast_to(dist_index[..., None], (batch_size, num_tracks, TOPN, overall_grid.shape[-1]))
    nearest_grid = jnp.take_along_axis(overall_grid, idx, axis=2)  # [B, N, TOPN, 4]
    nearest_grid = jnp.nan_to_num(nearest_grid)
    h = jax.nn.relu(nearest_grid @ W + b)  # [B, N, TOPN, HID]
    return h.reshape(batch_size * num_tracks, -1)

if __name__ == "__main__":
    import jax
    _d = setup_inputs()
    print(jax.jit(kernel)(*tuple(_d.values())))

</pallas_src>

<mosaic_0001>
#map = affine_map<(d0, d1) -> (0, 0)>
#map1 = affine_map<(d0, d1) -> (0)>
module attributes {stable_mosaic.version = 14 : i64} {
  func.func @_sc_body(%arg0: i32, %arg1: i32, %arg2: memref<32x512xf32, #tpu.memory_space<hbm>>, %arg3: memref<32x512xf32, #tpu.memory_space<hbm>>, %arg4: memref<32x512xf32, #tpu.memory_space<hbm>>, %arg5: memref<32x512xf32, #tpu.memory_space<hbm>>, %arg6: memref<4x16xf32, #tpu.memory_space<hbm>>, %arg7: memref<16xf32, #tpu.memory_space<hbm>>, %arg8: memref<1048576xf32, #tpu.memory_space<hbm>>, %arg9: memref<512xf32, #tpu.memory_space<vmem>>, %arg10: memref<512xf32, #tpu.memory_space<vmem>>, %arg11: memref<512xf32, #tpu.memory_space<vmem>>, %arg12: memref<512xf32, #tpu.memory_space<vmem>>, %arg13: memref<4x16xf32, #tpu.memory_space<vmem>>, %arg14: memref<16xf32, #tpu.memory_space<vmem>>, %arg15: memref<32768xf32, #tpu.memory_space<vmem>>) attributes {dimension_semantics = [#tpu.dimension_semantics<core_parallel>, #tpu.dimension_semantics<subcore_parallel>], iteration_bounds = array<i64: 2, 16>, scalar_prefetch = 0 : i64, scratch_operands = 7 : i64, tpu.core_type = #tpu.core_type<sc_vector_subcore>, window_params = [{transform_indices = #map}, {transform_indices = #map}, {transform_indices = #map}, {transform_indices = #map}, {transform_indices = #map}, {transform_indices = #map1}, {transform_indices = #map1}]} {
    %mul3A = arith.constant 2 : i32
    %mul3A_0 = arith.muli %arg1, %mul3A : i32
    %add3A = arith.addi %mul3A_0, %arg0 : i32
    "tpu.region"() ({
      %run_scoped3A = tpu.sem_alloc : memref<!tpu.dma_semaphore, #tpu.memory_space<semaphore_mem>>
      %dma_start3A = arith.constant 0 : i32
      %dma_start3A_46 = tpu.memref_slice %arg4[%add3A, %dma_start3A] : memref<32x512xf32, #tpu.memory_space<hbm>> -> memref<1x512xf32, #tpu.memory_space<hbm>>
      %dma_start3A_47 = tpu.memref_squeeze %dma_start3A_46 : memref<1x512xf32, #tpu.memory_space<hbm>> -> memref<512xf32, #tpu.memory_space<hbm>>
      %dma_start3A_48 = arith.constant 0 : i32
      %dma_start3A_49 = tpu.memref_slice %arg4[%add3A, %dma_start3A_48] : memref<32x512xf32, #tpu.memory_space<hbm>> -> memref<1x512xf32, #tpu.memory_space<hbm>>
      %dma_start3A_50 = tpu.memref_squeeze %dma_start3A_49 : memref<1x512xf32, #tpu.memory_space<hbm>> -> memref<512xf32, #tpu.memory_space<hbm>>
      tpu.enqueue_dma source(%dma_start3A_50 : memref<512xf32, #tpu.memory_space<hbm>>) target(%arg9 : memref<512xf32, #tpu.memory_space<vmem>>) target_semaphore(%run_scoped3A : memref<!tpu.dma_semaphore, #tpu.memory_space<semaphore_mem>>)
      %dma_wait3A = arith.constant 0 : i32
      %dma_wait3A_51 = tpu.memref_slice %arg4[%add3A, %dma_wait3A] : memref<32x512xf32, #tpu.memory_space<hbm>> -> memref<1x512xf32, #tpu.memory_space<hbm>>
      %dma_wait3A_52 = tpu.memref_squeeze %dma_wait3A_51 : memref<1x512xf32, #tpu.memory_space<hbm>> -> memref<512xf32, #tpu.memory_space<hbm>>
      %dma_wait3A_53 = arith.constant 0 : i32
      %dma_wait3A_54 = tpu.memref_slice %arg4[%add3A, %dma_wait3A_53] : memref<32x512xf32, #tpu.memory_space<hbm>> -> memref<1x512xf32, #tpu.memory_space<hbm>>
      %dma_wait3A_55 = tpu.memref_squeeze %dma_wait3A_54 : memref<1x512xf32, #tpu.memory_space<hbm>> -> memref<512xf32, #tpu.memory_space<hbm>>
      tpu.wait_dma2 semaphore(%run_scoped3A : memref<!tpu.dma_semaphore, #tpu.memory_space<semaphore_mem>>) src(%dma_wait3A_55 : memref<512xf32, #tpu.memory_space<hbm>>) dst(%arg9 : memref<512xf32, #tpu.memory_space<vmem>>)
      tpu.yield
    }) : () -> ()
    "tpu.region"() ({
      %run_scoped3A = tpu.sem_alloc : memref<!tpu.dma_semaphore, #tpu.memory_space<semaphore_mem>>
      %dma_start3A = arith.constant 0 : i32
      %dma_start3A_46 = tpu.memref_slice %arg5[%add3A, %dma_start3A] : memref<32x512xf32, #tpu.memory_space<hbm>> -> memref<1x512xf32, #tpu.memory_space<hbm>>
      %dma_start3A_47 = tpu.memref_squeeze %dma_start3A_46 : memref<1x512xf32, #tpu.memory_space<hbm>> -> memref<512xf32, #tpu.memory_space<hbm>>
      %dma_start3A_48 = arith.constant 0 : i32
      %dma_start3A_49 = tpu.memref_slice %arg5[%add3A, %dma_start3A_48] : memref<32x512xf32, #tpu.memory_space<hbm>> -> memref<1x512xf32, #tpu.memory_space<hbm>>
      %dma_start3A_50 = tpu.memref_squeeze %dma_start3A_49 : memref<1x512xf32, #tpu.memory_space<hbm>> -> memref<512xf32, #tpu.memory_space<hbm>>
      tpu.enqueue_dma source(%dma_start3A_50 : memref<512xf32, #tpu.memory_space<hbm>>) target(%arg10 : memref<512xf32, #tpu.memory_space<vmem>>) target_semaphore(%run_scoped3A : memref<!tpu.dma_semaphore, #tpu.memory_space<semaphore_mem>>)
      %dma_wait3A = arith.constant 0 : i32
      %dma_wait3A_51 = tpu.memref_slice %arg5[%add3A, %dma_wait3A] : memref<32x512xf32, #tpu.memory_space<hbm>> -> memref<1x512xf32, #tpu.memory_space<hbm>>
      %dma_wait3A_52 = tpu.memref_squeeze %dma_wait3A_51 : memref<1x512xf32, #tpu.memory_space<hbm>> -> memref<512xf32, #tpu.memory_space<hbm>>
      %dma_wait3A_53 = arith.constant 0 : i32
      %dma_wait3A_54 = tpu.memref_slice %arg5[%add3A, %dma_wait3A_53] : memref<32x512xf32, #tpu.memory_space<hbm>> -> memref<1x512xf32, #tpu.memory_space<hbm>>
      %dma_wait3A_55 = tpu.memref_squeeze %dma_wait3A_54 : memref<1x512xf32, #tpu.memory_space<hbm>> -> memref<512xf32, #tpu.memory_space<hbm>>
      tpu.wait_dma2 semaphore(%run_scoped3A : memref<!tpu.dma_semaphore, #tpu.memory_space<semaphore_mem>>) src(%dma_wait3A_55 : memref<512xf32, #tpu.memory_space<hbm>>) dst(%arg10 : memref<512xf32, #tpu.memory_space<vmem>>)
      tpu.yield
    }) : () -> ()
    "tpu.region"() ({
      %run_scoped3A = tpu.sem_alloc : memref<!tpu.dma_semaphore, #tpu.memory_space<semaphore_mem>>
      %dma_start3A = arith.constant 0 : i32
      %dma_start3A_46 = tpu.memref_slice %arg2[%add3A, %dma_start3A] : memref<32x512xf32, #tpu.memory_space<hbm>> -> memref<1x512xf32, #tpu.memory_space<hbm>>
      %dma_start3A_47 = tpu.memref_squeeze %dma_start3A_46 : memref<1x512xf32, #tpu.memory_space<hbm>> -> memref<512xf32, #tpu.memory_space<hbm>>
      %dma_start3A_48 = arith.constant 0 : i32
      %dma_start3A_49 = tpu.memref_slice %arg2[%add3A, %dma_start3A_48] : memref<32x512xf32, #tpu.memory_space<hbm>> -> memref<1x512xf32, #tpu.memory_space<hbm>>
      %dma_start3A_50 = tpu.memref_squeeze %dma_start3A_49 : memref<1x512xf32, #tpu.memory_space<hbm>> -> memref<512xf32, #tpu.memory_space<hbm>>
      tpu.enqueue_dma source(%dma_start3A_50 : memref<512xf32, #tpu.memory_space<hbm>>) target(%arg11 : memref<512xf32, #tpu.memory_space<vmem>>) target_semaphore(%run_scoped3A : memref<!tpu.dma_semaphore, #tpu.memory_space<semaphore_mem>>)
      %dma_wait3A = arith.constant 0 : i32
      %dma_wait3A_51 = tpu.memref_slice %arg2[%add3A, %dma_wait3A] : memref<32x512xf32, #tpu.memory_space<hbm>> -> memref<1x512xf32, #tpu.memory_space<hbm>>
      %dma_wait3A_52 = tpu.memref_squeeze %dma_wait3A_51 : memref<1x512xf32, #tpu.memory_space<hbm>> -> memref<512xf32, #tpu.memory_space<hbm>>
      %dma_wait3A_53 = arith.constant 0 : i32
      %dma_wait3A_54 = tpu.memref_slice %arg2[%add3A, %dma_wait3A_53] : memref<32x512xf32, #tpu.memory_space<hbm>> -> memref<1x512xf32, #tpu.memory_space<hbm>>
      %dma_wait3A_55 = tpu.memref_squeeze %dma_wait3A_54 : memref<1x512xf32, #tpu.memory_space<hbm>> -> memref<512xf32, #tpu.memory_space<hbm>>
      tpu.wait_dma2 semaphore(%run_scoped3A : memref<!tpu.dma_semaphore, #tpu.memory_space<semaphore_mem>>) src(%dma_wait3A_55 : memref<512xf32, #tpu.memory_space<hbm>>) dst(%arg11 : memref<512xf32, #tpu.memory_space<vmem>>)
      tpu.yield
    }) : () -> ()
    "tpu.region"() ({
      %run_scoped3A = tpu.sem_alloc : memref<!tpu.dma_semaphore, #tpu.memory_space<semaphore_mem>>
      %dma_start3A = arith.constant 0 : i32
      %dma_start3A_46 = tpu.memref_slice %arg3[%add3A, %dma_start3A] : memref<32x512xf32, #tpu.memory_space<hbm>> -> memref<1x512xf32, #tpu.memory_space<hbm>>
      %dma_start3A_47 = tpu.memref_squeeze %dma_start3A_46 : memref<1x512xf32, #tpu.memory_space<hbm>> -> memref<512xf32, #tpu.memory_space<hbm>>
      %dma_start3A_48 = arith.constant 0 : i32
      %dma_start3A_49 = tpu.memref_slice %arg3[%add3A, %dma_start3A_48] : memref<32x512xf32, #tpu.memory_space<hbm>> -> memref<1x512xf32, #tpu.memory_space<hbm>>
      %dma_start3A_50 = tpu.memref_squeeze %dma_start3A_49 : memref<1x512xf32, #tpu.memory_space<hbm>> -> memref<512xf32, #tpu.memory_space<hbm>>
      tpu.enqueue_dma source(%dma_start3A_50 : memref<512xf32, #tpu.memory_space<hbm>>) target(%arg12 : memref<512xf32, #tpu.memory_space<vmem>>) target_semaphore(%run_scoped3A : memref<!tpu.dma_semaphore, #tpu.memory_space<semaphore_mem>>)
      %dma_wait3A = arith.constant 0 : i32
      %dma_wait3A_51 = tpu.memref_slice %arg3[%add3A, %dma_wait3A] : memref<32x512xf32, #tpu.memory_space<hbm>> -> memref<1x512xf32, #tpu.memory_space<hbm>>
      %dma_wait3A_52 = tpu.memref_squeeze %dma_wait3A_51 : memref<1x512xf32, #tpu.memory_space<hbm>> -> memref<512xf32, #tpu.memory_space<hbm>>
      %dma_wait3A_53 = arith.constant 0 : i32
      %dma_wait3A_54 = tpu.memref_slice %arg3[%add3A, %dma_wait3A_53] : memref<32x512xf32, #tpu.memory_space<hbm>> -> memref<1x512xf32, #tpu.memory_space<hbm>>
      %dma_wait3A_55 = tpu.memref_squeeze %dma_wait3A_54 : memref<1x512xf32, #tpu.memory_space<hbm>> -> memref<512xf32, #tpu.memory_space<hbm>>
      tpu.wait_dma2 semaphore(%run_scoped3A : memref<!tpu.dma_semaphore, #tpu.memory_space<semaphore_mem>>) src(%dma_wait3A_55 : memref<512xf32, #tpu.memory_space<hbm>>) dst(%arg12 : memref<512xf32, #tpu.memory_space<vmem>>)
      tpu.yield
    }) : () -> ()
    "tpu.region"() ({
      %run_scoped3A = tpu.sem_alloc : memref<!tpu.dma_semaphore, #tpu.memory_space<semaphore_mem>>
      tpu.enqueue_dma source(%arg6 : memref<4x16xf32, #tpu.memory_space<hbm>>) target(%arg13 : memref<4x16xf32, #tpu.memory_space<vmem>>) target_semaphore(%run_scoped3A : memref<!tpu.dma_semaphore, #tpu.memory_space<semaphore_mem>>)
      tpu.wait_dma2 semaphore(%run_scoped3A : memref<!tpu.dma_semaphore, #tpu.memory_space<semaphore_mem>>) src(%arg6 : memref<4x16xf32, #tpu.memory_space<hbm>>) dst(%arg13 : memref<4x16xf32, #tpu.memory_space<vmem>>)
      tpu.yield
    }) : () -> ()
    "tpu.region"() ({
      %run_scoped3A = tpu.sem_alloc : memref<!tpu.dma_semaphore, #tpu.memory_space<semaphore_mem>>
      tpu.enqueue_dma source(%arg7 : memref<16xf32, #tpu.memory_space<hbm>>) target(%arg14 : memref<16xf32, #tpu.memory_space<vmem>>) target_semaphore(%run_scoped3A : memref<!tpu.dma_semaphore, #tpu.memory_space<semaphore_mem>>)
      tpu.wait_dma2 semaphore(%run_scoped3A : memref<!tpu.dma_semaphore, #tpu.memory_space<semaphore_mem>>) src(%arg7 : memref<16xf32, #tpu.memory_space<hbm>>) dst(%arg14 : memref<16xf32, #tpu.memory_space<vmem>>)
      tpu.yield
    }) : () -> ()
    %scan3A = arith.constant 0 : i32
    %scan3A_1 = arith.constant 0 : i32
    %scan3A_2 = arith.constant 32 : i32
    %scan3A_3 = arith.addi %scan3A_1, %scan3A_2 : i32
    %scan3A_4 = arith.constant 4 : i32
    %scan3A_5 = scf.for %scan3A_46 = %scan3A_1 to %scan3A_3 step %scan3A_4 iter_args(%scan3A_47 = %scan3A) -> (i32)  : i32 {
      %mul3A_48 = arith.constant 16 : i32
      %mul3A_49 = arith.muli %scan3A_46, %mul3A_48 : i32
      %get3A_50 = arith.index_cast %mul3A_49 : i32 to index
      %get3A_51 = tpu.vector_load %arg9[%get3A_50] {strides = array<i32>} : memref<512xf32, #tpu.memory_space<vmem>>, vector<16xf32>,
      %get3A_52 = arith.index_cast %mul3A_49 : i32 to index
      %get3A_53 = tpu.vector_load %arg11[%get3A_52] {strides = array<i32>} : memref<512xf32, #tpu.memory_space<vmem>>, vector<16xf32>,
      %sub3A_54 = arith.subf %get3A_51, %get3A_53 : vector<16xf32>
      %swap3A = arith.index_cast %mul3A_49 : i32 to index
      %swap3A_55 = tpu.vector_load %arg11[%swap3A] {strides = array<i32>} : memref<512xf32, #tpu.memory_space<vmem>>, vector<16xf32>,
      tpu.vector_store %arg11[%swap3A], %sub3A_54 {strides = array<i32>} : memref<512xf32, #tpu.memory_space<vmem>>, vector<16xf32>,
      %get3A_56 = arith.index_cast %mul3A_49 : i32 to index
      %get3A_57 = tpu.vector_load %arg10[%get3A_56] {strides = array<i32>} : memref<512xf32, #tpu.memory_space<vmem>>, vector<16xf32>,
      %get3A_58 = arith.index_cast %mul3A_49 : i32 to index
      %get3A_59 = tpu.vector_load %arg12[%get3A_58] {strides = array<i32>} : memref<512xf32, #tpu.memory_space<vmem>>, vector<16xf32>,
      %sub3A_60 = arith.subf %get3A_57, %get3A_59 : vector<16xf32>
      %swap3A_61 = arith.index_cast %mul3A_49 : i32 to index
      %swap3A_62 = tpu.vector_load %arg12[%swap3A_61] {strides = array<i32>} : memref<512xf32, #tpu.memory_space<vmem>>, vector<16xf32>,
      tpu.vector_store %arg12[%swap3A_61], %sub3A_60 {strides = array<i32>} : memref<512xf32, #tpu.memory_space<vmem>>, vector<16xf32>,
      %scan3A_63 = arith.constant 0 : i32
      %scan3A_64 = arith.constant 1 : i32
      %scan3A_65 = arith.addi %scan3A_46, %scan3A_64 : i32
      %mul3A_66 = arith.constant 16 : i32
      %mul3A_67 = arith.muli %scan3A_65, %mul3A_66 : i32
      %get3A_68 = arith.index_cast %mul3A_67 : i32 to index
      %get3A_69 = tpu.vector_load %arg9[%get3A_68] {strides = array<i32>} : memref<512xf32, #tpu.memory_space<vmem>>, vector<16xf32>,
      %get3A_70 = arith.index_cast %mul3A_67 : i32 to index
      %get3A_71 = tpu.vector_load %arg11[%get3A_70] {strides = array<i32>} : memref<512xf32, #tpu.memory_space<vmem>>, vector<16xf32>,
      %sub3A_72 = arith.subf %get3A_69, %get3A_71 : vector<16xf32>
      %swap3A_73 = arith.index_cast %mul3A_67 : i32 to index
      %swap3A_74 = tpu.vector_load %arg11[%swap3A_73] {strides = array<i32>} : memref<512xf32, #tpu.memory_space<vmem>>, vector<16xf32>,
      tpu.vector_store %arg11[%swap3A_73], %sub3A_72 {strides = array<i32>} : memref<512xf32, #tpu.memory_space<vmem>>, vector<16xf32>,
      %get3A_75 = arith.index_cast %mul3A_67 : i32 to index
      %get3A_76 = tpu.vector_load %arg10[%get3A_75] {strides = array<i32>} : memref<512xf32, #tpu.memory_space<vmem>>, vector<16xf32>,
      %get3A_77 = arith.index_cast %mul3A_67 : i32 to index
      %get3A_78 = tpu.vector_load %arg12[%get3A_77] {strides = array<i32>} : memref<512xf32, #tpu.memory_space<vmem>>, vector<16xf32>,
      %sub3A_79 = arith.subf %get3A_76, %get3A_78 : vector<16xf32>
      %swap3A_80 = arith.index_cast %mul3A_67 : i32 to index
      %swap3A_81 = tpu.vector_load %arg12[%swap3A_80] {strides = array<i32>} : memref<512xf32, #tpu.memory_space<vmem>>, vector<16xf32>,
      tpu.vector_store %arg12[%swap3A_80], %sub3A_79 {strides = array<i32>} : memref<512xf32, #tpu.memory_space<vmem>>, vector<16xf32>,
      %scan3A_82 = arith.constant 0 : i32
      %scan3A_83 = arith.constant 2 : i32
      %scan3A_84 = arith.addi %scan3A_46, %scan3A_83 : i32
      %mul3A_85 = arith.constant 16 : i32
      %mul3A_86 = arith.muli %scan3A_84, %mul3A_85 : i32
      %get3A_87 = arith.index_cast %mul3A_86 : i32 to index
      %get3A_88 = tpu.vector_load %arg9[%get3A_87] {strides = array<i32>} : memref<512xf32, #tpu.memory_space<vmem>>, vector<16xf32>,
      %get3A_89 = arith.index_cast %mul3A_86 : i32 to index
      %get3A_90 = tpu.vector_load %arg11[%get3A_89] {strides = array<i32>} : memref<512xf32, #tpu.memory_space<vmem>>, vector<16xf32>,
      %sub3A_91 = arith.subf %get3A_88, %get3A_90 : vector<16xf32>
      %swap3A_92 = arith.index_cast %mul3A_86 : i32 to index
      %swap3A_93 = tpu.vector_load %arg11[%swap3A_92] {strides = array<i32>} : memref<512xf32, #tpu.memory_space<vmem>>, vector<16xf32>,
      tpu.vector_store %arg11[%swap3A_92], %sub3A_91 {strides = array<i32>} : memref<512xf32, #tpu.memory_space<vmem>>, vector<16xf32>,
      %get3A_94 = arith.index_cast %mul3A_86 : i32 to index
      %get3A_95 = tpu.vector_load %arg10[%get3A_94] {strides = array<i32>} : memref<512xf32, #tpu.memory_space<vmem>>, vector<16xf32>,
      %get3A_96 = arith.index_cast %mul3A_86 : i32 to index
      %get3A_97 = tpu.vector_load %arg12[%get3A_96] {strides = array<i32>} : memref<512xf32, #tpu.memory_space<vmem>>, vector<16xf32>,
      %sub3A_98 = arith.subf %get3A_95, %get3A_97 : vector<16xf32>
      %swap3A_99 = arith.index_cast %mul3A_86 : i32 to index
      %swap3A_100 = tpu.vector_load %arg12[%swap3A_99] {strides = array<i32>} : memref<512xf32, #tpu.memory_space<vmem>>, vector<16xf32>,
      tpu.vector_store %arg12[%swap3A_99], %sub3A_98 {strides = array<i32>} : memref<512xf32, #tpu.memory_space<vmem>>, vector<16xf32>,
      %scan3A_101 = arith.constant 0 : i32
      %scan3A_102 = arith.constant 3 : i32
      %scan3A_103 = arith.addi %scan3A_46, %scan3A_102 : i32
      %mul3A_104 = arith.constant 16 : i32
      %mul3A_105 = arith.muli %scan3A_103, %mul3A_104 : i32
      %get3A_106 = arith.index_cast %mul3A_105 : i32 to index
      %get3A_107 = tpu.vector_load %arg9[%get3A_106] {strides = array<i32>} : memref<512xf32, #tpu.memory_space<vmem>>, vector<16xf32>,
      %get3A_108 = arith.index_cast %mul3A_105 : i32 to index
      %get3A_109 = tpu.vector_load %arg11[%get3A_108] {strides = array<i32>} : memref<512xf32, #tpu.memory_space<vmem>>, vector<16xf32>,
      %sub3A_110 = arith.subf %get3A_107, %get3A_109 : vector<16xf32>
      %swap3A_111 = arith.index_cast %mul3A_105 : i32 to index
      %swap3A_112 = tpu.vector_load %arg11[%swap3A_111] {strides = array<i32>} : memref<512xf32, #tpu.memory_space<vmem>>, vector<16xf32>,
      tpu.vector_store %arg11[%swap3A_111], %sub3A_110 {strides = array<i32>} : memref<512xf32, #tpu.memory_space<vmem>>, vector<16xf32>,
      %get3A_113 = arith.index_cast %mul3A_105 : i32 to index
      %get3A_114 = tpu.vector_load %arg10[%get3A_113] {strides = array<i32>} : memref<512xf32, #tpu.memory_space<vmem>>, vector<16xf32>,
      %get3A_115 = arith.index_cast %mul3A_105 : i32 to index
      %get3A_116 = tpu.vector_load %arg12[%get3A_115] {strides = array<i32>} : memref<512xf32, #tpu.memory_space<vmem>>, vector<16xf32>,
      %sub3A_117 = arith.subf %get3A_114, %get3A_116 : vector<16xf32>
      %swap3A_118 = arith.index_cast %mul3A_105 : i32 to index
      %swap3A_119 = tpu.vector_load %arg12[%swap3A_118] {strides = array<i32>} : memref<512xf32, #tpu.memory_space<vmem>>, vector<16xf32>,
      tpu.vector_store %arg12[%swap3A_118], %sub3A_117 {strides = array<i32>} : memref<512xf32, #tpu.memory_space<vmem>>, vector<16xf32>,
      %scan3A_120 = arith.constant 0 : i32
      scf.yield %scan3A_120 : i32
    }
    %scan3A_6 = arith.constant 32 : i32
    %get3A = arith.constant 0 : i32
    %get3A_7 = arith.index_cast %get3A : i32 to index
    %get3A_8 = arith.constant 0 : index
    %get3A_9 = tpu.vector_load %arg13[%get3A_7, %get3A_8] {strides = array<i32>} : memref<4x16xf32, #tpu.memory_space<vmem>>, vector<16xf32>,
    %get3A_10 = arith.constant 1 : i32
    %get3A_11 = arith.index_cast %get3A_10 : i32 to index
    %get3A_12 = arith.constant 0 : index
    %get3A_13 = tpu.vector_load %arg13[%get3A_11, %get3A_12] {strides = array<i32>} : memref<4x16xf32, #tpu.memory_space<vmem>>, vector<16xf32>,
    %get3A_14 = arith.constant 2 : i32
    %get3A_15 = arith.index_cast %get3A_14 : i32 to index
    %get3A_16 = arith.constant 0 : index
    %get3A_17 = tpu.vector_load %arg13[%get3A_15, %get3A_16] {strides = array<i32>} : memref<4x16xf32, #tpu.memory_space<vmem>>, vector<16xf32>,
    %get3A_18 = arith.constant 3 : i32
    %get3A_19 = arith.index_cast %get3A_18 : i32 to index
    %get3A_20 = arith.constant 0 : index
    %get3A_21 = tpu.vector_load %arg13[%get3A_19, %get3A_20] {strides = array<i32>} : memref<4x16xf32, #tpu.memory_space<vmem>>, vector<16xf32>,
    %get3A_22 = arith.constant 0 : index
    %get3A_23 = tpu.vector_load %arg14[%get3A_22] {strides = array<i32>} : memref<16xf32, #tpu.memory_space<vmem>>, vector<16xf32>,
    %iota3A = tpu.iota {dimensions = array<i32: 0>} : vector<16xi32>
    %shift_right_arithmetic3A = arith.constant 3 : i32
    %shift_right_arithmetic3A_24 = vector.broadcast %shift_right_arithmetic3A : i32 to vector<16xi32>
    %shift_right_arithmetic3A_25 = arith.shrsi %iota3A, %shift_right_arithmetic3A_24 : vector<16xi32>
    %eq3A = arith.constant 0 : i32
    %eq3A_26 = vector.broadcast %eq3A : i32 to vector<16xi32>
    %eq3A_27 = arith.cmpi eq, %shift_right_arithmetic3A_25, %eq3A_26 : vector<16xi32>
    %sub3A = arith.constant 15 : i32
    %sub3A_28 = vector.broadcast %sub3A : i32 to vector<16xi32>
    %sub3A_29 = arith.subi %sub3A_28, %iota3A : vector<16xi32>
    %broadcast_in_dim3A = arith.constant 3.000000e+38 : f32
    %broadcast_in_dim3A_30 = vector.broadcast %broadcast_in_dim3A : f32 to vector<16xf32>
    %broadcast_in_dim3A_31 = arith.constant 0 : i32
    %broadcast_in_dim3A_32 = vector.broadcast %broadcast_in_dim3A_31 : i32 to vector<16xi32>
    %scan3A_33 = arith.constant 0 : i32
    %scan3A_34 = arith.constant 0 : i32
    %scan3A_35 = arith.constant 128 : i32
    %scan3A_36 = arith.addi %scan3A_34, %scan3A_35 : i32
    %scan3A_37 = arith.constant 1 : i32
    %scan3A_38 = scf.for %scan3A_46 = %scan3A_34 to %scan3A_36 step %scan3A_37 iter_args(%scan3A_47 = %scan3A_33) -> (i32)  : i32 {
      %mul3A_48 = arith.constant 4 : i32
      %mul3A_49 = arith.muli %mul3A_48, %scan3A_46 : i32
      %add3A_50 = arith.constant 0 : i32
      %add3A_51 = arith.addi %mul3A_49, %add3A_50 : i32
      %mul3A_52 = arith.constant 4 : i32
      %mul3A_53 = arith.muli %mul3A_52, %scan3A_46 : i32
      %add3A_54 = arith.constant 1 : i32
      %add3A_55 = arith.addi %mul3A_53, %add3A_54 : i32
      %mul3A_56 = arith.constant 4 : i32
      %mul3A_57 = arith.muli %mul3A_56, %scan3A_46 : i32
      %add3A_58 = arith.constant 2 : i32
      %add3A_59 = arith.addi %mul3A_57, %add3A_58 : i32
      %mul3A_60 = arith.constant 4 : i32
      %mul3A_61 = arith.muli %mul3A_60, %scan3A_46 : i32
      %add3A_62 = arith.constant 3 : i32
      %add3A_63 = arith.addi %mul3A_61, %add3A_62 : i32
      %broadcast_in_dim3A_64 = vector.broadcast %add3A_51 : i32 to vector<16xi32>
      %broadcast_in_dim3A_65 = vector.broadcast %add3A_55 : i32 to vector<16xi32>
      %broadcast_in_dim3A_66 = vector.broadcast %add3A_59 : i32 to vector<16xi32>
      %broadcast_in_dim3A_67 = vector.broadcast %add3A_63 : i32 to vector<16xi32>
      %gather3A = tpu.vector_load_idx %arg9[%broadcast_in_dim3A_64] : memref<512xf32, #tpu.memory_space<vmem>>[vector<16xi32>], vector<16xf32>,
      %gather3A_68 = tpu.vector_load_idx %arg9[%broadcast_in_dim3A_65] : memref<512xf32, #tpu.memory_space<vmem>>[vector<16xi32>], vector<16xf32>,
      %gather3A_69 = tpu.vector_load_idx %arg9[%broadcast_in_dim3A_66] : memref<512xf32, #tpu.memory_space<vmem>>[vector<16xi32>], vector<16xf32>,
      %gather3A_70 = tpu.vector_load_idx %arg9[%broadcast_in_dim3A_67] : memref<512xf32, #tpu.memory_space<vmem>>[vector<16xi32>], vector<16xf32>,
      %gather3A_71 = tpu.vector_load_idx %arg10[%broadcast_in_dim3A_64] : memref<512xf32, #tpu.memory_space<vmem>>[vector<16xi32>], vector<16xf32>,
      %gather3A_72 = tpu.vector_load_idx %arg10[%broadcast_in_dim3A_65] : memref<512xf32, #tpu.memory_space<vmem>>[vector<16xi32>], vector<16xf32>,
      %gather3A_73 = tpu.vector_load_idx %arg10[%broadcast_in_dim3A_66] : memref<512xf32, #tpu.memory_space<vmem>>[vector<16xi32>], vector<16xf32>,
      %gather3A_74 = tpu.vector_load_idx %arg10[%broadcast_in_dim3A_67] : memref<512xf32, #tpu.memory_space<vmem>>[vector<16xi32>], vector<16xf32>,
      %scan3A_75 = arith.constant 0 : i32
      %scan3A_76 = arith.constant 16 : i32
      %scan3A_77 = arith.addi %scan3A_75, %scan3A_76 : i32
      %scan3A_78 = arith.constant 2 : i32
      %scan3A_79:32 = scf.for %scan3A_793 = %scan3A_75 to %scan3A_77 step %scan3A_78 iter_args(%scan3A_794 = %broadcast_in_dim3A_30, %scan3A_795 = %broadcast_in_dim3A_32, %scan3A_796 = %broadcast_in_dim3A_30, %scan3A_797 = %broadcast_in_dim3A_32, %scan3A_798 = %broadcast_in_dim3A_30, %scan3A_799 = %broadcast_in_dim3A_32, %scan3A_800 = %broadcast_in_dim3A_30, %scan3A_801 = %broadcast_in_dim3A_32, %scan3A_802 = %broadcast_in_dim3A_30, %scan3A_803 = %broadcast_in_dim3A_32, %scan3A_804 = %broadcast_in_dim3A_30, %scan3A_805 = %broadcast_in_dim3A_32, %scan3A_806 = %broadcast_in_dim3A_30, %scan3A_807 = %broadcast_in_dim3A_32, %scan3A_808 = %broadcast_in_dim3A_30, %scan3A_809 = %broadcast_in_dim3A_32, %scan3A_810 = %broadcast_in_dim3A_30, %scan3A_811 = %broadcast_in_dim3A_32, %scan3A_812 = %broadcast_in_dim3A_30, %scan3A_813 = %broadcast_in_dim3A_32, %scan3A_814 = %broadcast_in_dim3A_30, %scan3A_815 = %broadcast_in_dim3A_32, %scan3A_816 = %broadcast_in_dim3A_30, %scan3A_817 = %broadcast_in_dim3A_32, %scan3A_818 = %broadcast_in_dim3A_30, %scan3A_819 = %broadcast_in_dim3A_32, %scan3A_820 = %broadcast_in_dim3A_30, %scan3A_821 = %broadcast_in_dim3A_32, %scan3A_822 = %broadcast_in_dim3A_30, %scan3A_823 = %broadcast_in_dim3A_32, %scan3A_824 = %broadcast_in_dim3A_30, %scan3A_825 = %broadcast_in_dim3A_32) -> (vector<16xf32>, vector<16xi32>, vector<16xf32>, vector<16xi32>, vector<16xf32>, vector<16xi32>, vector<16xf32>, vector<16xi32>, vector<16xf32>, vector<16xi32>, vector<16xf32>, vector<16xi32>, vector<16xf32>, vector<16xi32>, vector<16xf32>, vector<16xi32>, vector<16xf32>, vector<16xi32>, vector<16xf32>, vector<16xi32>, vector<16xf32>, vector<16xi32>, vector<16xf32>, vector<16xi32>, vector<16xf32>, vector<16xi32>, vector<16xf32>, vector<16xi32>, vector<16xf32>, vector<16xi32>, vector<16xf32>, vector<16xi32>)  : i32 {
        %mul3A_826 = arith.constant 2 : i32
        %mul3A_827 = arith.muli %mul3A_826, %scan3A_793 : i32
        %add3A_828 = arith.constant 0 : i32
        %add3A_829 = arith.addi %mul3A_827, %add3A_828 : i32
        %mul3A_830 = arith.constant 16 : i32
        %mul3A_831 = arith.muli %add3A_829, %mul3A_830 : i32
        %mul3A_832 = arith.constant 16 : i32
        %mul3A_833 = arith.muli %add3A_829, %mul3A_832 : i32
        %add3A_834 = vector.broadcast %mul3A_833 : i32 to vector<16xi32>
        %add3A_835 = arith.addi %iota3A, %add3A_834 : vector<16xi32>
        %get3A_836 = arith.index_cast %mul3A_831 : i32 to index
        %get3A_837 = tpu.vector_load %arg9[%get3A_836] {strides = array<i32>} : memref<512xf32, #tpu.memory_space<vmem>>, vector<16xf32>,
        %get3A_838 = arith.index_cast %mul3A_831 : i32 to index
        %get3A_839 = tpu.vector_load %arg10[%get3A_838] {strides = array<i32>} : memref<512xf32, #tpu.memory_space<vmem>>, vector<16xf32>,
        %sub3A_840 = arith.subf %get3A_837, %gather3A : vector<16xf32>
        %sub3A_841 = arith.subf %get3A_839, %gather3A_71 : vector<16xf32>
        %mul3A_842 = arith.mulf %sub3A_840, %sub3A_840 : vector<16xf32>
        %mul3A_843 = arith.mulf %sub3A_841, %sub3A_841 : vector<16xf32>
        %add3A_844 = arith.addf %mul3A_842, %mul3A_843 : vector<16xf32>
        %select_n3A_845 = arith.select %eq3A_27, %add3A_844, %scan3A_794 : vector<16xi1>, vector<16xf32>
        %select_n3A_846 = arith.select %eq3A_27, %add3A_835, %scan3A_795 : vector<16xi1>, vector<16xi32>
        %masked_sort3A_847 = arith.constant dense<true> : vector<16xi1>
        %masked_sort3A_848, %masked_sort3A_849, %masked_sort3A_850 = tpu.sort %select_n3A_845, %select_n3A_846 masked %masked_sort3A_847 {descending = true} : (vector<16xf32>, vector<16xi32>, vector<16xi1>) -> (vector<16xi1>, vector<16xf32>, vector<16xi32>)
        %select_n3A_851 = arith.select %eq3A_27, %scan3A_796, %add3A_844 : vector<16xi1>, vector<16xf32>
        %select_n3A_852 = arith.select %eq3A_27, %scan3A_797, %add3A_835 : vector<16xi1>, vector<16xi32>
        %masked_sort3A_853 = arith.constant dense<true> : vector<16xi1>
        %masked_sort3A_854, %masked_sort3A_855, %masked_sort3A_856 = tpu.sort %select_n3A_851, %select_n3A_852 masked %masked_sort3A_853 : (vector<16xf32>, vector<16xi32>, vector<16xi1>) -> (vector<16xi1>, vector<16xf32>, vector<16xi32>)
        %sub3A_857 = arith.subf %get3A_837, %gather3A_68 : vector<16xf32>
        %sub3A_858 = arith.subf %get3A_839, %gather3A_72 : vector<16xf32>
        %mul3A_859 = arith.mulf %sub3A_857, %sub3A_857 : vector<16xf32>
        %mul3A_860 = arith.mulf %sub3A_858, %sub3A_858 : vector<16xf32>
        %add3A_861 = arith.addf %mul3A_859, %mul3A_860 : vector<16xf32>
        %select_n3A_862 = arith.select %eq3A_27, %add3A_861, %scan3A_802 : vector<16xi1>, vector<16xf32>
        %select_n3A_863 = arith.select %eq3A_27, %add3A_835, %scan3A_803 : vector<16xi1>, vector<16xi32>
        %masked_sort3A_864 = arith.constant dense<true> : vector<16xi1>
        %masked_sort3A_865, %masked_sort3A_866, %masked_sort3A_867 = tpu.sort %select_n3A_862, %select_n3A_863 masked %masked_sort3A_864 {descending = true} : (vector<16xf32>, vector<16xi32>, vector<16xi1>) -> (vector<16xi1>, vector<16xf32>, vector<16xi32>)
        %select_n3A_868 = arith.select %eq3A_27, %scan3A_804, %add3A_861 : vector<16xi1>, vector<16xf32>
        %select_n3A_869 = arith.select %eq3A_27, %scan3A_805, %add3A_835 : vector<16xi1>, vector<16xi32>
        %masked_sort3A_870 = arith.constant dense<true> : vector<16xi1>
        %masked_sort3A_871, %masked_sort3A_872, %masked_sort3A_873 = tpu.sort %select_n3A_868, %select_n3A_869 masked %masked_sort3A_870 : (vector<16xf32>, vector<16xi32>, vector<16xi1>) -> (vector<16xi1>, vector<16xf32>, vector<16xi32>)
        %sub3A_874 = arith.subf %get3A_837, %gather3A_69 : vector<16xf32>
        %sub3A_875 = arith.subf %get3A_839, %gather3A_73 : vector<16xf32>
        %mul3A_876 = arith.mulf %sub3A_874, %sub3A_874 : vector<16xf32>
        %mul3A_877 = arith.mulf %sub3A_875, %sub3A_875 : vector<16xf32>
        %add3A_878 = arith.addf %mul3A_876, %mul3A_877 : vector<16xf32>
        %select_n3A_879 = arith.select %eq3A_27, %add3A_878, %scan3A_810 : vector<16xi1>, vector<16xf32>
        %select_n3A_880 = arith.select %eq3A_27, %add3A_835, %scan3A_811 : vector<16xi1>, vector<16xi32>
        %masked_sort3A_881 = arith.constant dense<true> : vector<16xi1>
        %masked_sort3A_882, %masked_sort3A_883, %masked_sort3A_884 = tpu.sort %select_n3A_879, %select_n3A_880 masked %masked_sort3A_881 {descending = true} : (vector<16xf32>, vector<16xi32>, vector<16xi1>) -> (vector<16xi1>, vector<16xf32>, vector<16xi32>)
        %select_n3A_885 = arith.select %eq3A_27, %scan3A_812, %add3A_878 : vector<16xi1>, vector<16xf32>
        %select_n3A_886 = arith.select %eq3A_27, %scan3A_813, %add3A_835 : vector<16xi1>, vector<16xi32>
        %masked_sort3A_887 = arith.constant dense<true> : vector<16xi1>
        %masked_sort3A_888, %masked_sort3A_889, %masked_sort3A_890 = tpu.sort %select_n3A_885, %select_n3A_886 masked %masked_sort3A_887 : (vector<16xf32>, vector<16xi32>, vector<16xi1>) -> (vector<16xi1>, vector<16xf32>, vector<16xi32>)
        %sub3A_891 = arith.subf %get3A_837, %gather3A_70 : vector<16xf32>
        %sub3A_892 = arith.subf %get3A_839, %gather3A_74 : vector<16xf32>
        %mul3A_893 = arith.mulf %sub3A_891, %sub3A_891 : vector<16xf32>
        %mul3A_894 = arith.mulf %sub3A_892, %sub3A_892 : vector<16xf32>
        %add3A_895 = arith.addf %mul3A_893, %mul3A_894 : vector<16xf32>
        %select_n3A_896 = arith.select %eq3A_27, %add3A_895, %scan3A_818 : vector<16xi1>, vector<16xf32>
        %select_n3A_897 = arith.select %eq3A_27, %add3A_835, %scan3A_819 : vector<16xi1>, vector<16xi32>
        %masked_sort3A_898 = arith.constant dense<true> : vector<16xi1>
        %masked_sort3A_899, %masked_sort3A_900, %masked_sort3A_901 = tpu.sort %select_n3A_896, %select_n3A_897 masked %masked_sort3A_898 {descending = true} : (vector<16xf32>, vector<16xi32>, vector<16xi1>) -> (vector<16xi1>, vector<16xf32>, vector<16xi32>)
        %select_n3A_902 = arith.select %eq3A_27, %scan3A_820, %add3A_895 : vector<16xi1>, vector<16xf32>
        %select_n3A_903 = arith.select %eq3A_27, %scan3A_821, %add3A_835 : vector<16xi1>, vector<16xi32>
        %masked_sort3A_904 = arith.constant dense<true> : vector<16xi1>
        %masked_sort3A_905, %masked_sort3A_906, %masked_sort3A_907 = tpu.sort %select_n3A_902, %select_n3A_903 masked %masked_sort3A_904 : (vector<16xf32>, vector<16xi32>, vector<16xi1>) -> (vector<16xi1>, vector<16xf32>, vector<16xi32>)
        %mul3A_908 = arith.constant 2 : i32
        %mul3A_909 = arith.muli %mul3A_908, %scan3A_793 : i32
        %add3A_910 = arith.constant 1 : i32
        %add3A_911 = arith.addi %mul3A_909, %add3A_910 : i32
        %mul3A_912 = arith.constant 16 : i32
        %mul3A_913 = arith.muli %add3A_911, %mul3A_912 : i32
        %mul3A_914 = arith.constant 16 : i32
        %mul3A_915 = arith.muli %add3A_911, %mul3A_914 : i32
        %add3A_916 = vector.broadcast %mul3A_915 : i32 to vector<16xi32>
        %add3A_917 = arith.addi %iota3A, %add3A_916 : vector<16xi32>
        %get3A_918 = arith.index_cast %mul3A_913 : i32 to index
        %get3A_919 = tpu.vector_load %arg9[%get3A_918] {strides = array<i32>} : memref<512xf32, #tpu.memory_space<vmem>>, vector<16xf32>,
        %get3A_920 = arith.index_cast %mul3A_913 : i32 to index
        %get3A_921 = tpu.vector_load %arg10[%get3A_920] {strides = array<i32>} : memref<512xf32, #tpu.memory_space<vmem>>, vector<16xf32>,
        %sub3A_922 = arith.subf %get3A_919, %gather3A : vector<16xf32>
        %sub3A_923 = arith.subf %get3A_921, %gather3A_71 : vector<16xf32>
        %mul3A_924 = arith.mulf %sub3A_922, %sub3A_922 : vector<16xf32>
        %mul3A_925 = arith.mulf %sub3A_923, %sub3A_923 : vector<16xf32>
        %add3A_926 = arith.addf %mul3A_924, %mul3A_925 : vector<16xf32>
        %select_n3A_927 = arith.select %eq3A_27, %add3A_926, %scan3A_798 : vector<16xi1>, vector<16xf32>
        %select_n3A_928 = arith.select %eq3A_27, %add3A_917, %scan3A_799 : vector<16xi1>, vector<16xi32>
        %masked_sort3A_929 = arith.constant dense<true> : vector<16xi1>
        %masked_sort3A_930, %masked_sort3A_931, %masked_sort3A_932 = tpu.sort %select_n3A_927, %select_n3A_928 masked %masked_sort3A_929 {descending = true} : (vector<16xf32>, vector<16xi32>, vector<16xi1>) -> (vector<16xi1>, vector<16xf32>, vector<16xi32>)
        %select_n3A_933 = arith.select %eq3A_27, %scan3A_800, %add3A_926 : vector<16xi1>, vector<16xf32>
        %select_n3A_934 = arith.select %eq3A_27, %scan3A_801, %add3A_917 : vector<16xi1>, vector<16xi32>
        %masked_sort3A_935 = arith.constant dense<true> : vector<16xi1>
        %masked_sort3A_936, %masked_sort3A_937, %masked_sort3A_938 = tpu.sort %select_n3A_933, %select_n3A_934 masked %masked_sort3A_935 : (vector<16xf32>, vector<16xi32>, vector<16xi1>) -> (vector<16xi1>, vector<16xf32>, vector<16xi32>)
        %sub3A_939 = arith.subf %get3A_919, %gather3A_68 : vector<16xf32>
        %sub3A_940 = arith.subf %get3A_921, %gather3A_72 : vector<16xf32>
        %mul3A_941 = arith.mulf %sub3A_939, %sub3A_939 : vector<16xf32>
        %mul3A_942 = arith.mulf %sub3A_940, %sub3A_940 : vector<16xf32>
        %add3A_943 = arith.addf %mul3A_941, %mul3A_942 : vector<16xf32>
        %select_n3A_944 = arith.select %eq3A_27, %add3A_943, %scan3A_806 : vector<16xi1>, vector<16xf32>
        %select_n3A_945 = arith.select %eq3A_27, %add3A_917, %scan3A_807 : vector<16xi1>, vector<16xi32>
        %masked_sort3A_946 = arith.constant dense<true> : vector<16xi1>
        %masked_sort3A_947, %masked_sort3A_948, %masked_sort3A_949 = tpu.sort %select_n3A_944, %select_n3A_945 masked %masked_sort3A_946 {descending = true} : (vector<16xf32>, vector<16xi32>, vector<16xi1>) -> (vector<16xi1>, vector<16xf32>, vector<16xi32>)
        %select_n3A_950 = arith.select %eq3A_27, %scan3A_808, %add3A_943 : vector<16xi1>, vector<16xf32>
        %select_n3A_951 = arith.select %eq3A_27, %scan3A_809, %add3A_917 : vector<16xi1>, vector<16xi32>
        %masked_sort3A_952 = arith.constant dense<true> : vector<16xi1>
        %masked_sort3A_953, %masked_sort3A_954, %masked_sort3A_955 = tpu.sort %select_n3A_950, %select_n3A_951 masked %masked_sort3A_952 : (vector<16xf32>, vector<16xi32>, vector<16xi1>) -> (vector<16xi1>, vector<16xf32>, vector<16xi32>)
        %sub3A_956 = arith.subf %get3A_919, %gather3A_69 : vector<16xf32>
        %sub3A_957 = arith.subf %get3A_921, %gather3A_73 : vector<16xf32>
        %mul3A_958 = arith.mulf %sub3A_956, %sub3A_956 : vector<16xf32>
        %mul3A_959 = arith.mulf %sub3A_957, %sub3A_957 : vector<16xf32>
        %add3A_960 = arith.addf %mul3A_958, %mul3A_959 : vector<16xf32>
        %select_n3A_961 = arith.select %eq3A_27, %add3A_960, %scan3A_814 : vector<16xi1>, vector<16xf32>
        %select_n3A_962 = arith.select %eq3A_27, %add3A_917, %scan3A_815 : vector<16xi1>, vector<16xi32>
        %masked_sort3A_963 = arith.constant dense<true> : vector<16xi1>
        %masked_sort3A_964, %masked_sort3A_965, %masked_sort3A_966 = tpu.sort %select_n3A_961, %select_n3A_962 masked %masked_sort3A_963 {descending = true} : (vector<16xf32>, vector<16xi32>, vector<16xi1>) -> (vector<16xi1>, vector<16xf32>, vector<16xi32>)
        %select_n3A_967 = arith.select %eq3A_27, %scan3A_816, %add3A_960 : vector<16xi1>, vector<16xf32>
        %select_n3A_968 = arith.select %eq3A_27, %scan3A_817, %add3A_917 : vector<16xi1>, vector<16xi32>
        %masked_sort3A_969 = arith.constant dense<true> : vector<16xi1>
        %masked_sort3A_970, %masked_sort3A_971, %masked_sort3A_972 = tpu.sort %select_n3A_967, %select_n3A_968 masked %masked_sort3A_969 : (vector<16xf32>, vector<16xi32>, vector<16xi1>) -> (vector<16xi1>, vector<16xf32>, vector<16xi32>)
        %sub3A_973 = arith.subf %get3A_919, %gather3A_70 : vector<16xf32>
        %sub3A_974 = arith.subf %get3A_921, %gather3A_74 : vector<16xf32>
        %mul3A_975 = arith.mulf %sub3A_973, %sub3A_973 : vector<16xf32>
        %mul3A_976 = arith.mulf %sub3A_974, %sub3A_974 : vector<16xf32>
        %add3A_977 = arith.addf %mul3A_975, %mul3A_976 : vector<16xf32>
        %select_n3A_978 = arith.select %eq3A_27, %add3A_977, %scan3A_822 : vector<16xi1>, vector<16xf32>
        %select_n3A_979 = arith.select %eq3A_27, %add3A_917, %scan3A_823 : vector<16xi1>, vector<16xi32>
        %masked_sort3A_980 = arith.constant dense<true> : vector<16xi1>
        %masked_sort3A_981, %masked_sort3A_982, %masked_sort3A_983 = tpu.sort %select_n3A_978, %select_n3A_979 masked %masked_sort3A_980 {descending = true} : (vector<16xf32>, vector<16xi32>, vector<16xi1>) -> (vector<16xi1>, vector<16xf32>, vector<16xi32>)
        %select_n3A_984 = arith.select %eq3A_27, %scan3A_824, %add3A_977 : vector<16xi1>, vector<16xf32>
        %select_n3A_985 = arith.select %eq3A_27, %scan3A_825, %add3A_917 : vector<16xi1>, vector<16xi32>
        %masked_sort3A_986 = arith.constant dense<true> : vector<16xi1>
        %masked_sort3A_987, %masked_sort3A_988, %masked_sort3A_989 = tpu.sort %select_n3A_984, %select_n3A_985 masked %masked_sort3A_986 : (vector<16xf32>, vector<16xi32>, vector<16xi1>) -> (vector<16xi1>, vector<16xf32>, vector<16xi32>)
        %scan3A_990 = arith.constant 1 : i32
        %scan3A_991 = arith.addi %scan3A_793, %scan3A_990 : i32
        %mul3A_992 = arith.constant 2 : i32
        %mul3A_993 = arith.muli %mul3A_992, %scan3A_991 : i32
        %add3A_994 = arith.constant 0 : i32
        %add3A_995 = arith.addi %mul3A_993, %add3A_994 : i32
        %mul3A_996 = arith.constant 16 : i32
        %mul3A_997 = arith.muli %add3A_995, %mul3A_996 : i32
        %mul3A_998 = arith.constant 16 : i32
        %mul3A_999 = arith.muli %add3A_995, %mul3A_998 : i32
        %add3A_1000 = vector.broadcast %mul3A_999 : i32 to vector<16xi32>
        %add3A_1001 = arith.addi %iota3A, %add3A_1000 : vector<16xi32>
        %get3A_1002 = arith.index_cast %mul3A_997 : i32 to index
        %get3A_1003 = tpu.vector_load %arg9[%get3A_1002] {strides = array<i32>} : memref<512xf32, #tpu.memory_space<vmem>>, vector<16xf32>,
        %get3A_1004 = arith.index_cast %mul3A_997 : i32 to index
        %get3A_1005 = tpu.vector_load %arg10[%get3A_1004] {strides = array<i32>} : memref<512xf32, #tpu.memory_space<vmem>>, vector<16xf32>,
        %sub3A_1006 = arith.subf %get3A_1003, %gather3A : vector<16xf32>
        %sub3A_1007 = arith.subf %get3A_1005, %gather3A_71 : vector<16xf32>
        %mul3A_1008 = arith.mulf %sub3A_1006, %sub3A_1006 : vector<16xf32>
        %mul3A_1009 = arith.mulf %sub3A_1007, %sub3A_1007 : vector<16xf32>
        %add3A_1010 = arith.addf %mul3A_1008, %mul3A_1009 : vector<16xf32>
        %select_n3A_1011 = arith.select %eq3A_27, %add3A_1010, %masked_sort3A_849 : vector<16xi1>, vector<16xf32>
        %select_n3A_1012 = arith.select %eq3A_27, %add3A_1001, %masked_sort3A_850 : vector<16xi1>, vector<16xi32>
        %masked_sort3A_1013 = arith.constant dense<true> : vector<16xi1>
        %masked_sort3A_1014, %masked_sort3A_1015, %masked_sort3A_1016 = tpu.sort %select_n3A_1011, %select_n3A_1012 masked %masked_sort3A_1013 {descending = true} : (vector<16xf32>, vector<16xi32>, vector<16xi1>) -> (vector<16xi1>, vector<16xf32>, vector<16xi32>)
        %select_n3A_1017 = arith.select %eq3A_27, %masked_sort3A_855, %add3A_1010 : vector<16xi1>, vector<16xf32>
        %select_n3A_1018 = arith.select %eq3A_27, %masked_sort3A_856, %add3A_1001 : vector<16xi1>, vector<16xi32>
        %masked_sort3A_1019 = arith.constant dense<true> : vector<16xi1>
        %masked_sort3A_1020, %masked_sort3A_1021, %masked_sort3A_1022 = tpu.sort %select_n3A_1017, %select_n3A_1018 masked %masked_sort3A_1019 : (vector<16xf32>, vector<16xi32>, vector<16xi1>) -> (vector<16xi1>, vector<16xf32>, vector<16xi32>)
        %sub3A_1023 = arith.subf %get3A_1003, %gather3A_68 : vector<16xf32>
        %sub3A_1024 = arith.subf %get3A_1005, %gather3A_72 : vector<16xf32>
        %mul3A_1025 = arith.mulf %sub3A_1023, %sub3A_1023 : vector<16xf32>
        %mul3A_1026 = arith.mulf %sub3A_1024, %sub3A_1024 : vector<16xf32>
        %add3A_1027 = arith.addf %mul3A_1025, %mul3A_1026 : vector<16xf32>
        %select_n3A_1028 = arith.select %eq3A_27, %add3A_1027, %masked_sort3A_866 : vector<16xi1>, vector<16xf32>
        %select_n3A_1029 = arith.select %eq3A_27, %add3A_1001, %masked_sort3A_867 : vector<16xi1>, vector<16xi32>
        %masked_sort3A_1030 = arith.constant dense<true> : vector<16xi1>
        %masked_sort3A_1031, %masked_sort3A_1032, %masked_sort3A_1033 = tpu.sort %select_n3A_1028, %select_n3A_1029 masked %masked_sort3A_1030 {descending = true} : (vector<16xf32>, vector<16xi32>, vector<16xi1>) -> (vector<16xi1>, vector<16xf32>, vector<16xi32>)
        %select_n3A_1034 = arith.select %eq3A_27, %masked_sort3A_872, %add3A_1027 : vector<16xi1>, vector<16xf32>
        %select_n3A_1035 = arith.select %eq3A_27, %masked_sort3A_873, %add3A_1001 : vector<16xi1>, vector<16xi32>
        %masked_sort3A_1036 = arith.constant dense<true> : vector<16xi1>
        %masked_sort3A_1037, %masked_sort3A_1038, %masked_sort3A_1039 = tpu.sort %select_n3A_1034, %select_n3A_1035 masked %masked_sort3A_1036 : (vector<16xf32>, vector<16xi32>, vector<16xi1>) -> (vector<16xi1>, vector<16xf32>, vector<16xi32>)
        %sub3A_1040 = arith.subf %get3A_1003, %gather3A_69 : vector<16xf32>
        %sub3A_1041 = arith.subf %get3A_1005, %gather3A_73 : vector<16xf32>
        %mul3A_1042 = arith.mulf %sub3A_1040, %sub3A_1040 : vector<16xf32>
        %mul3A_1043 = arith.mulf %sub3A_1041, %sub3A_1041 : vector<16xf32>
        %add3A_1044 = arith.addf %mul3A_1042, %mul3A_1043 : vector<16xf32>
        %select_n3A_1045 = arith.select %eq3A_27, %add3A_1044, %masked_sort3A_883 : vector<16xi1>, vector<16xf32>
        %select_n3A_1046 = arith.select %eq3A_27, %add3A_1001, %masked_sort3A_884 : vector<16xi1>, vector<16xi32>
        %masked_sort3A_1047 = arith.constant dense<true> : vector<16xi1>
        %masked_sort3A_1048, %masked_sort3A_1049, %masked_sort3A_1050 = tpu.sort %select_n3A_1045, %select_n3A_1046 masked %masked_sort3A_1047 {descending = true} : (vector<16xf32>, vector<16xi32>, vector<16xi1>) -> (vector<16xi1>, vector<16xf32>, vector<16xi32>)
        %select_n3A_1051 = arith.select %eq3A_27, %masked_sort3A_889, %add3A_1044 : vector<16xi1>, vector<16xf32>
        %select_n3A_1052 = arith.select %eq3A_27, %masked_sort3A_890, %add3A_1001 : vector<16xi1>, vector<16xi32>
        %masked_sort3A_1053 = arith.constant dense<true> : vector<16xi1>
        %masked_sort3A_1054, %masked_sort3A_1055, %masked_sort3A_1056 = tpu.sort %select_n3A_1051, %select_n3A_1052 masked %masked_sort3A_1053 : (vector<16xf32>, vector<16xi32>, vector<16xi1>) -> (vector<16xi1>, vector<16xf32>, vector<16xi32>)
        %sub3A_1057 = arith.subf %get3A_1003, %gather3A_70 : vector<16xf32>
        %sub3A_1058 = arith.subf %get3A_1005, %gather3A_74 : vector<16xf32>
        %mul3A_1059 = arith.mulf %sub3A_1057, %sub3A_1057 : vector<16xf32>
        %mul3A_1060 = arith.mulf %sub3A_1058, %sub3A_1058 : vector<16xf32>
        %add3A_1061 = arith.addf %mul3A_1059, %mul3A_1060 : vector<16xf32>
        %select_n3A_1062 = arith.select %eq3A_27, %add3A_1061, %masked_sort3A_900 : vector<16xi1>, vector<16xf32>
        %select_n3A_1063 = arith.select %eq3A_27, %add3A_1001, %masked_sort3A_901 : vector<16xi1>, vector<16xi32>
        %masked_sort3A_1064 = arith.constant dense<true> : vector<16xi1>
        %masked_sort3A_1065, %masked_sort3A_1066, %masked_sort3A_1067 = tpu.sort %select_n3A_1062, %select_n3A_1063 masked %masked_sort3A_1064 {descending = true} : (vector<16xf32>, vector<16xi32>, vector<16xi1>) -> (vector<16xi1>, vector<16xf32>, vector<16xi32>)
        %select_n3A_1068 = arith.select %eq3A_27, %masked_sort3A_906, %add3A_1061 : vector<16xi1>, vector<16xf32>
        %select_n3A_1069 = arith.select %eq3A_27, %masked_sort3A_907, %add3A_1001 : vector<16xi1>, vector<16xi32>
        %masked_sort3A_1070 = arith.constant dense<true> : vector<16xi1>
        %masked_sort3A_1071, %masked_sort3A_1072, %masked_sort3A_1073 = tpu.sort %select_n3A_1068, %select_n3A_1069 masked %masked_sort3A_1070 : (vector<16xf32>, vector<16xi32>, vector<16xi1>) -> (vector<16xi1>, vector<16xf32>, vector<16xi32>)
        %mul3A_1074 = arith.constant 2 : i32
        %mul3A_1075 = arith.muli %mul3A_1074, %scan3A_991 : i32
        %add3A_1076 = arith.constant 1 : i32
        %add3A_1077 = arith.addi %mul3A_1075, %add3A_1076 : i32
        %mul3A_1078 = arith.constant 16 : i32
        %mul3A_1079 = arith.muli %add3A_1077, %mul3A_1078 : i32
        %mul3A_1080 = arith.constant 16 : i32
        %mul3A_1081 = arith.muli %add3A_1077, %mul3A_1080 : i32
        %add3A_1082 = vector.broadcast %mul3A_1081 : i32 to vector<16xi32>
        %add3A_1083 = arith.addi %iota3A, %add3A_1082 : vector<16xi32>
        %get3A_1084 = arith.index_cast %mul3A_1079 : i32 to index
        %get3A_1085 = tpu.vector_load %arg9[%get3A_1084] {strides = array<i32>} : memref<512xf32, #tpu.memory_space<vmem>>, vector<16xf32>,
        %get3A_1086 = arith.index_cast %mul3A_1079 : i32 to index
        %get3A_1087 = tpu.vector_load %arg10[%get3A_1086] {strides = array<i32>} : memref<512xf32, #tpu.memory_space<vmem>>, vector<16xf32>,
        %sub3A_1088 = arith.subf %get3A_1085, %gather3A : vector<16xf32>
        %sub3A_1089 = arith.subf %get3A_1087, %gather3A_71 : vector<16xf32>
        %mul3A_1090 = arith.mulf %sub3A_1088, %sub3A_1088 : vector<16xf32>
        %mul3A_1091 = arith.mulf %sub3A_1089, %sub3A_1089 : vector<16xf32>
        %add3A_1092 = arith.addf %mul3A_1090, %mul3A_1091 : vector<16xf32>
        %select_n3A_1093 = arith.select %eq3A_27, %add3A_1092, %masked_sort3A_931 : vector<16xi1>, vector<16xf32>
        %select_n3A_1094 = arith.select %eq3A_27, %add3A_1083, %masked_sort3A_932 : vector<16xi1>, vector<16xi32>
        %masked_sort3A_1095 = arith.constant dense<true> : vector<16xi1>
        %masked_sort3A_1096, %masked_sort3A_1097, %masked_sort3A_1098 = tpu.sort %select_n3A_1093, %select_n3A_1094 masked %masked_sort3A_1095 {descending = true} : (vector<16xf32>, vector<16xi32>, vector<16xi1>) -> (vector<16xi1>, vector<16xf32>, vector<16xi32>)
        %select_n3A_1099 = arith.select %eq3A_27, %masked_sort3A_937, %add3A_1092 : vector<16xi1>, vector<16xf32>
        %select_n3A_1100 = arith.select %eq3A_27, %masked_sort3A_938, %add3A_1083 : vector<16xi1>, vector<16xi32>
        %masked_sort3A_1101 = arith.constant dense<true> : vector<16xi1>
        %masked_sort3A_1102, %masked_sort3A_1103, %masked_sort3A_1104 = tpu.sort %select_n3A_1099, %select_n3A_1100 masked %masked_sort3A_1101 : (vector<16xf32>, vector<16xi32>, vector<16xi1>) -> (vector<16xi1>, vector<16xf32>, vector<16xi32>)
        %sub3A_1105 = arith.subf %get3A_1085, %gather3A_68 : vector<16xf32>
        %sub3A_1106 = arith.subf %get3A_1087, %gather3A_72 : vector<16xf32>
        %mul3A_1107 = arith.mulf %sub3A_1105, %sub3A_1105 : vector<16xf32>
        %mul3A_1108 = arith.mulf %sub3A_1106, %sub3A_1106 : vector<16xf32>
        %add3A_1109 = arith.addf %mul3A_1107, %mul3A_1108 : vector<16xf32>
        %select_n3A_1110 = arith.select %eq3A_27, %add3A_1109, %masked_sort3A_948 : vector<16xi1>, vector<16xf32>
        %select_n3A_1111 = arith.select %eq3A_27, %add3A_1083, %masked_sort3A_949 : vector<16xi1>, vector<16xi32>
        %masked_sort3A_1112 = arith.constant dense<true> : vector<16xi1>
        %masked_sort3A_1113, %masked_sort3A_1114, %masked_sort3A_1115 = tpu.sort %select_n3A_1110, %select_n3A_1111 masked %masked_sort3A_1112 {descending = true} : (vector<16xf32>, vector<16xi32>, vector<16xi1>) -> (vector<16xi1>, vector<16xf32>, vector<16xi32>)
        %select_n3A_1116 = arith.select %eq3A_27, %masked_sort3A_954, %add3A_1109 : vector<16xi1>, vector<16xf32>
        %select_n3A_1117 = arith.select %eq3A_27, %masked_sort3A_955, %add3A_1083 : vector<16xi1>, vector<16xi32>
        %masked_sort3A_1118 = arith.constant dense<true> : vector<16xi1>
        %masked_sort3A_1119, %masked_sort3A_1120, %masked_sort3A_1121 = tpu.sort %select_n3A_1116, %select_n3A_1117 masked %masked_sort3A_1118 : (vector<16xf32>, vector<16xi32>, vector<16xi1>) -> (vector<16xi1>, vector<16xf32>, vector<16xi32>)
        %sub3A_1122 = arith.subf %get3A_1085, %gather3A_69 : vector<16xf32>
        %sub3A_1123 = arith.subf %get3A_1087, %gather3A_73 : vector<16xf32>
        %mul3A_1124 = arith.mulf %sub3A_1122, %sub3A_1122 : vector<16xf32>
        %mul3A_1125 = arith.mulf %sub3A_1123, %sub3A_1123 : vector<16xf32>
        %add3A_1126 = arith.addf %mul3A_1124, %mul3A_1125 : vector<16xf32>
        %select_n3A_1127 = arith.select %eq3A_27, %add3A_1126, %masked_sort3A_965 : vector<16xi1>, vector<16xf32>
        %select_n3A_1128 = arith.select %eq3A_27, %add3A_1083, %masked_sort3A_966 : vector<16xi1>, vector<16xi32>
        %masked_sort3A_1129 = arith.constant dense<true> : vector<16xi1>
        %masked_sort3A_1130, %masked_sort3A_1131, %masked_sort3A_1132 = tpu.sort %select_n3A_1127, %select_n3A_1128 masked %masked_sort3A_1129 {descending = true} : (vector<16xf32>, vector<16xi32>, vector<16xi1>) -> (vector<16xi1>, vector<16xf32>, vector<16xi32>)
        %select_n3A_1133 = arith.select %eq3A_27, %masked_sort3A_971, %add3A_1126 : vector<16xi1>, vector<16xf32>
        %select_n3A_1134 = arith.select %eq3A_27, %masked_sort3A_972, %add3A_1083 : vector<16xi1>, vector<16xi32>
        %masked_sort3A_1135 = arith.constant dense<true> : vector<16xi1>
        %masked_sort3A_1136, %masked_sort3A_1137, %masked_sort3A_1138 = tpu.sort %select_n3A_1133, %select_n3A_1134 masked %masked_sort3A_1135 : (vector<16xf32>, vector<16xi32>, vector<16xi1>) -> (vector<16xi1>, vector<16xf32>, vector<16xi32>)
        %sub3A_1139 = arith.subf %get3A_1085, %gather3A_70 : vector<16xf32>
        %sub3A_1140 = arith.subf %get3A_1087, %gather3A_74 : vector<16xf32>
        %mul3A_1141 = arith.mulf %sub3A_1139, %sub3A_1139 : vector<16xf32>
        %mul3A_1142 = arith.mulf %sub3A_1140, %sub3A_1140 : vector<16xf32>
        %add3A_1143 = arith.addf %mul3A_1141, %mul3A_1142 : vector<16xf32>
        %select_n3A_1144 = arith.select %eq3A_27, %add3A_1143, %masked_sort3A_982 : vector<16xi1>, vector<16xf32>
        %select_n3A_1145 = arith.select %eq3A_27, %add3A_1083, %masked_sort3A_983 : vector<16xi1>, vector<16xi32>
        %masked_sort3A_1146 = arith.constant dense<true> : vector<16xi1>
        %masked_sort3A_1147, %masked_sort3A_1148, %masked_sort3A_1149 = tpu.sort %select_n3A_1144, %select_n3A_1145 masked %masked_sort3A_1146 {descending = true} : (vector<16xf32>, vector<16xi32>, vector<16xi1>) -> (vector<16xi1>, vector<16xf32>, vector<16xi32>)
        %select_n3A_1150 = arith.select %eq3A_27, %masked_sort3A_988, %add3A_1143 : vector<16xi1>, vector<16xf32>
        %select_n3A_1151 = arith.select %eq3A_27, %masked_sort3A_989, %add3A_1083 : vector<16xi1>, vector<16xi32>
        %masked_sort3A_1152 = arith.constant dense<true> : vector<16xi1>
        %masked_sort3A_1153, %masked_sort3A_1154, %masked_sort3A_1155 = tpu.sort %select_n3A_1150, %select_n3A_1151 masked %masked_sort3A_1152 : (vector<16xf32>, vector<16xi32>, vector<16xi1>) -> (vector<16xi1>, vector<16xf32>, vector<16xi32>)
        scf.yield %masked_sort3A_1015, %masked_sort3A_1016, %masked_sort3A_1021, %masked_sort3A_1022, %masked_sort3A_1097, %masked_sort3A_1098, %masked_sort3A_1103, %masked_sort3A_1104, %masked_sort3A_1032, %masked_sort3A_1033, %masked_sort3A_1038, %masked_sort3A_1039, %masked_sort3A_1114, %masked_sort3A_1115, %masked_sort3A_1120, %masked_sort3A_1121, %masked_sort3A_1049, %masked_sort3A_1050, %masked_sort3A_1055, %masked_sort3A_1056, %masked_sort3A_1131, %masked_sort3A_1132, %masked_sort3A_1137, %masked_sort3A_1138, %masked_sort3A_1066, %masked_sort3A_1067, %masked_sort3A_1072, %masked_sort3A_1073, %masked_sort3A_1148, %masked_sort3A_1149, %masked_sort3A_1154, %masked_sort3A_1155 : vector<16xf32>, vector<16xi32>, vector<16xf32>, vector<16xi32>, vector<16xf32>, vector<16xi32>, vector<16xf32>, vector<16xi32>, vector<16xf32>, vector<16xi32>, vector<16xf32>, vector<16xi32>, vector<16xf32>, vector<16xi32>, vector<16xf32>, vector<16xi32>, vector<16xf32>, vector<16xi32>, vector<16xf32>, vector<16xi32>, vector<16xf32>, vector<16xi32>, vector<16xf32>, vector<16xi32>, vector<16xf32>, vector<16xi32>, vector<16xf32>, vector<16xi32>, vector<16xf32>, vector<16xi32>, vector<16xf32>, vector<16xi32>
      }
      %scan3A_80 = arith.constant 16 : i32
      %eq3A_81 = arith.constant 0.000000e+00 : f32
      %eq3A_82 = vector.broadcast %eq3A_81 : f32 to vector<16xf32>
      %eq3A_83 = arith.cmpf oeq, %scan3A_79#0, %eq3A_82 : vector<16xf32>
      %jit3A = arith.constant 3.000000e+38 : f32
      %broadcast_in_dim3A_84 = vector.broadcast %jit3A : f32 to vector<16xf32>
      %select_n3A = arith.select %eq3A_83, %broadcast_in_dim3A_84, %scan3A_79#0 : vector<16xi1>, vector<16xf32>
      %eq3A_85 = arith.constant 0.000000e+00 : f32
      %eq3A_86 = vector.broadcast %eq3A_85 : f32 to vector<16xf32>
      %eq3A_87 = arith.cmpf oeq, %scan3A_79#2, %eq3A_86 : vector<16xf32>
      %jit3A_88 = arith.constant 3.000000e+38 : f32
      %broadcast_in_dim3A_89 = vector.broadcast %jit3A_88 : f32 to vector<16xf32>
      %select_n3A_90 = arith.select %eq3A_87, %broadcast_in_dim3A_89, %scan3A_79#2 : vector<16xi1>, vector<16xf32>
      %eq3A_91 = arith.constant 0.000000e+00 : f32
      %eq3A_92 = vector.broadcast %eq3A_91 : f32 to vector<16xf32>
      %eq3A_93 = arith.cmpf oeq, %scan3A_79#4, %eq3A_92 : vector<16xf32>
      %jit3A_94 = arith.constant 3.000000e+38 : f32
      %broadcast_in_dim3A_95 = vector.broadcast %jit3A_94 : f32 to vector<16xf32>
      %select_n3A_96 = arith.select %eq3A_93, %broadcast_in_dim3A_95, %scan3A_79#4 : vector<16xi1>, vector<16xf32>
      %eq3A_97 = arith.constant 0.000000e+00 : f32
      %eq3A_98 = vector.broadcast %eq3A_97 : f32 to vector<16xf32>
      %eq3A_99 = arith.cmpf oeq, %scan3A_79#6, %eq3A_98 : vector<16xf32>
      %jit3A_100 = arith.constant 3.000000e+38 : f32
      %broadcast_in_dim3A_101 = vector.broadcast %jit3A_100 : f32 to vector<16xf32>
      %select_n3A_102 = arith.select %eq3A_99, %broadcast_in_dim3A_101, %scan3A_79#6 : vector<16xi1>, vector<16xf32>
      %select_n3A_103 = arith.select %eq3A_27, %select_n3A_90, %select_n3A : vector<16xi1>, vector<16xf32>
      %select_n3A_104 = arith.select %eq3A_27, %scan3A_79#3, %scan3A_79#1 : vector<16xi1>, vector<16xi32>
      %masked_sort3A = arith.constant dense<true> : vector<16xi1>
      %masked_sort3A_105, %masked_sort3A_106, %masked_sort3A_107 = tpu.sort %select_n3A_103, %select_n3A_104 masked %masked_sort3A {descending = true} : (vector<16xf32>, vector<16xi32>, vector<16xi1>) -> (vector<16xi1>, vector<16xf32>, vector<16xi32>)
      %select_n3A_108 = arith.select %eq3A_27, %select_n3A_102, %select_n3A_96 : vector<16xi1>, vector<16xf32>
      %select_n3A_109 = arith.select %eq3A_27, %scan3A_79#7, %scan3A_79#5 : vector<16xi1>, vector<16xi32>
      %masked_sort3A_110 = arith.constant dense<true> : vector<16xi1>
      %masked_sort3A_111, %masked_sort3A_112, %masked_sort3A_113 = tpu.sort %select_n3A_108, %select_n3A_109 masked %masked_sort3A_110 : (vector<16xf32>, vector<16xi32>, vector<16xi1>) -> (vector<16xi1>, vector<16xf32>, vector<16xi32>)
      %select_n3A_114 = arith.select %eq3A_27, %masked_sort3A_112, %masked_sort3A_106 : vector<16xi1>, vector<16xf32>
      %select_n3A_115 = arith.select %eq3A_27, %masked_sort3A_113, %masked_sort3A_107 : vector<16xi1>, vector<16xi32>
      %masked_sort3A_116 = arith.constant dense<true> : vector<16xi1>
      %masked_sort3A_117, %masked_sort3A_118, %masked_sort3A_119 = tpu.sort %select_n3A_114, %select_n3A_115 masked %masked_sort3A_116 {descending = true} : (vector<16xf32>, vector<16xi32>, vector<16xi1>) -> (vector<16xi1>, vector<16xf32>, vector<16xi32>)
      %broadcast_in_dim3A_120 = vector.shape_cast %sub3A_29 : vector<16xi32> to vector<16x1xi32>
      %gather3A_121 = vector.shape_cast %broadcast_in_dim3A_120 : vector<16x1xi32> to vector<16xi32>
      %gather3A_122 = tpu.dynamic_gather %masked_sort3A_119[%gather3A_121] in [0] : vector<16xi32>, vector<16xi32> -> vector<16xi32>
      %gather3A_123 = tpu.vector_load_idx %arg11[%broadcast_in_dim3A_64] : memref<512xf32, #tpu.memory_space<vmem>>[vector<16xi32>], vector<16xf32>,
      %gather3A_124 = tpu.vector_load_idx %arg12[%broadcast_in_dim3A_64] : memref<512xf32, #tpu.memory_space<vmem>>[vector<16xi32>], vector<16xf32>,
      %mul3A_125 = arith.constant 64 : i32
      %mul3A_126 = arith.muli %add3A_51, %mul3A_125 : i32
      %gather3A_127 = tpu.vector_load_idx %arg9[%gather3A_122] : memref<512xf32, #tpu.memory_space<vmem>>[vector<16xi32>], vector<16xf32>,
      %gather3A_128 = tpu.vector_load_idx %arg10[%gather3A_122] : memref<512xf32, #tpu.memory_space<vmem>>[vector<16xi32>], vector<16xf32>,
      %gather3A_129 = tpu.vector_load_idx %arg11[%gather3A_122] : memref<512xf32, #tpu.memory_space<vmem>>[vector<16xi32>], vector<16xf32>,
      %gather3A_130 = tpu.vector_load_idx %arg12[%gather3A_122] : memref<512xf32, #tpu.memory_space<vmem>>[vector<16xi32>], vector<16xf32>,
      %add3A_131 = arith.constant 0 : i32
      %add3A_132 = vector.broadcast %add3A_131 : i32 to vector<16xi32>
      %add3A_133 = arith.addi %shift_right_arithmetic3A_25, %add3A_132 : vector<16xi32>
      %broadcast_in_dim3A_134 = vector.shape_cast %add3A_133 : vector<16xi32> to vector<16x1xi32>
      %gather3A_135 = vector.shape_cast %broadcast_in_dim3A_134 : vector<16x1xi32> to vector<16xi32>
      %gather3A_136 = tpu.dynamic_gather %gather3A_122[%gather3A_135] in [0] : vector<16xi32>, vector<16xi32> -> vector<16xi32>
      %gather3A_137 = tpu.vector_load_idx %arg9[%gather3A_136] : memref<512xf32, #tpu.memory_space<vmem>>[vector<16xi32>], vector<16xf32>,
      %sub3A_138 = arith.subf %gather3A_137, %gather3A : vector<16xf32>
      %gather3A_139 = tpu.vector_load_idx %arg10[%gather3A_136] : memref<512xf32, #tpu.memory_space<vmem>>[vector<16xi32>], vector<16xf32>,
      %sub3A_140 = arith.subf %gather3A_139, %gather3A_71 : vector<16xf32>
      %gather3A_141 = tpu.vector_load_idx %arg11[%gather3A_136] : memref<512xf32, #tpu.memory_space<vmem>>[vector<16xi32>], vector<16xf32>,
      %sub3A_142 = arith.subf %gather3A_141, %gather3A_123 : vector<16xf32>
      %gather3A_143 = tpu.vector_load_idx %arg12[%gather3A_136] : memref<512xf32, #tpu.memory_space<vmem>>[vector<16xi32>], vector<16xf32>,
      %sub3A_144 = arith.subf %gather3A_143, %gather3A_124 : vector<16xf32>
      %mul3A_145 = arith.mulf %sub3A_138, %get3A_9 : vector<16xf32>
      %add3A_146 = arith.addf %get3A_23, %mul3A_145 : vector<16xf32>
      %mul3A_147 = arith.mulf %sub3A_140, %get3A_13 : vector<16xf32>
      %add3A_148 = arith.addf %add3A_146, %mul3A_147 : vector<16xf32>
      %mul3A_149 = arith.mulf %sub3A_142, %get3A_17 : vector<16xf32>
      %add3A_150 = arith.addf %add3A_148, %mul3A_149 : vector<16xf32>
      %mul3A_151 = arith.mulf %sub3A_144, %get3A_21 : vector<16xf32>
      %add3A_152 = arith.addf %add3A_150, %mul3A_151 : vector<16xf32>
      %max3A = arith.constant 0.000000e+00 : f32
      %max3A_153 = vector.broadcast %max3A : f32 to vector<16xf32>
      %max3A_154 = arith.maximumf %add3A_152, %max3A_153 : vector<16xf32>
      %add3A_155 = arith.constant 0 : i32
      %add3A_156 = arith.addi %mul3A_126, %add3A_155 : i32
      %swap3A = arith.index_cast %add3A_156 : i32 to index
      %swap3A_157 = tpu.vector_load %arg15[%swap3A] {strides = array<i32>} : memref<32768xf32, #tpu.memory_space<vmem>>, vector<16xf32>,
      tpu.vector_store %arg15[%swap3A], %max3A_154 {strides = array<i32>} : memref<32768xf32, #tpu.memory_space<vmem>>, vector<16xf32>,
      %add3A_158 = arith.constant 2 : i32
      %add3A_159 = vector.broadcast %add3A_158 : i32 to vector<16xi32>
      %add3A_160 = arith.addi %shift_right_arithmetic3A_25, %add3A_159 : vector<16xi32>
      %broadcast_in_dim3A_161 = vector.shape_cast %add3A_160 : vector<16xi32> to vector<16x1xi32>
      %gather3A_162 = vector.shape_cast %broadcast_in_dim3A_161 : vector<16x1xi32> to vector<16xi32>
      %gather3A_163 = tpu.dynamic_gather %gather3A_122[%gather3A_162] in [0] : vector<16xi32>, vector<16xi32> -> vector<16xi32>
      %gather3A_164 = tpu.vector_load_idx %arg9[%gather3A_163] : memref<512xf32, #tpu.memory_space<vmem>>[vector<16xi32>], vector<16xf32>,
      %sub3A_165 = arith.subf %gather3A_164, %gather3A : vector<16xf32>
      %gather3A_166 = tpu.vector_load_idx %arg10[%gather3A_163] : memref<512xf32, #tpu.memory_space<vmem>>[vector<16xi32>], vector<16xf32>,
      %sub3A_167 = arith.subf %gather3A_166, %gather3A_71 : vector<16xf32>
      %gather3A_168 = tpu.vector_load_idx %arg11[%gather3A_163] : memref<512xf32, #tpu.memory_space<vmem>>[vector<16xi32>], vector<16xf32>,
      %sub3A_169 = arith.subf %gather3A_168, %gather3A_123 : vector<16xf32>
      %gather3A_170 = tpu.vector_load_idx %arg12[%gather3A_163] : memref<512xf32, #tpu.memory_space<vmem>>[vector<16xi32>], vector<16xf32>,
      %sub3A_171 = arith.subf %gather3A_170, %gather3A_124 : vector<16xf32>
      %mul3A_172 = arith.mulf %sub3A_165, %get3A_9 : vector<16xf32>
      %add3A_173 = arith.addf %get3A_23, %mul3A_172 : vector<16xf32>
      %mul3A_174 = arith.mulf %sub3A_167, %get3A_13 : vector<16xf32>
      %add3A_175 = arith.addf %add3A_173, %mul3A_174 : vector<16xf32>
      %mul3A_176 = arith.mulf %sub3A_169, %get3A_17 : vector<16xf32>
      %add3A_177 = arith.addf %add3A_175, %mul3A_176 : vector<16xf32>
      %mul3A_178 = arith.mulf %sub3A_171, %get3A_21 : vector<16xf32>
      %add3A_179 = arith.addf %add3A_177, %mul3A_178 : vector<16xf32>
      %max3A_180 = arith.constant 0.000000e+00 : f32
      %max3A_181 = vector.broadcast %max3A_180 : f32 to vector<16xf32>
      %max3A_182 = arith.maximumf %add3A_179, %max3A_181 : vector<16xf32>
      %add3A_183 = arith.constant 16 : i32
      %add3A_184 = arith.addi %mul3A_126, %add3A_183 : i32
      %swap3A_185 = arith.index_cast %add3A_184 : i32 to index
      %swap3A_186 = tpu.vector_load %arg15[%swap3A_185] {strides = array<i32>} : memref<32768xf32, #tpu.memory_space<vmem>>, vector<16xf32>,
      tpu.vector_store %arg15[%swap3A_185], %max3A_182 {strides = array<i32>} : memref<32768xf32, #tpu.memory_space<vmem>>, vector<16xf32>,
      %add3A_187 = arith.constant 4 : i32
      %add3A_188 = vector.broadcast %add3A_187 : i32 to vector<16xi32>
      %add3A_189 = arith.addi %shift_right_arithmetic3A_25, %add3A_188 : vector<16xi32>
      %broadcast_in_dim3A_190 = vector.shape_cast %add3A_189 : vector<16xi32> to vector<16x1xi32>
      %gather3A_191 = vector.shape_cast %broadcast_in_dim3A_190 : vector<16x1xi32> to vector<16xi32>
      %gather3A_192 = tpu.dynamic_gather %gather3A_127[%gather3A_191] in [0] : vector<16xf32>, vector<16xi32> -> vector<16xf32>
      %sub3A_193 = arith.subf %gather3A_192, %gather3A : vector<16xf32>
      %broadcast_in_dim3A_194 = vector.shape_cast %add3A_189 : vector<16xi32> to vector<16x1xi32>
      %gather3A_195 = vector.shape_cast %broadcast_in_dim3A_194 : vector<16x1xi32> to vector<16xi32>
      %gather3A_196 = tpu.dynamic_gather %gather3A_128[%gather3A_195] in [0] : vector<16xf32>, vector<16xi32> -> vector<16xf32>
      %sub3A_197 = arith.subf %gather3A_196, %gather3A_71 : vector<16xf32>
      %broadcast_in_dim3A_198 = vector.shape_cast %add3A_189 : vector<16xi32> to vector<16x1xi32>
      %gather3A_199 = vector.shape_cast %broadcast_in_dim3A_198 : vector<16x1xi32> to vector<16xi32>
      %gather3A_200 = tpu.dynamic_gather %gather3A_129[%gather3A_199] in [0] : vector<16xf32>, vector<16xi32> -> vector<16xf32>
      %sub3A_201 = arith.subf %gather3A_200, %gather3A_123 : vector<16xf32>
      %broadcast_in_dim3A_202 = vector.shape_cast %add3A_189 : vector<16xi32> to vector<16x1xi32>
      %gather3A_203 = vector.shape_cast %broadcast_in_dim3A_202 : vector<16x1xi32> to vector<16xi32>
      %gather3A_204 = tpu.dynamic_gather %gather3A_130[%gather3A_203] in [0] : vector<16xf32>, vector<16xi32> -> vector<16xf32>
      %sub3A_205 = arith.subf %gather3A_204, %gather3A_124 : vector<16xf32>
      %mul3A_206 = arith.mulf %sub3A_193, %get3A_9 : vector<16xf32>
      %add3A_207 = arith.addf %get3A_23, %mul3A_206 : vector<16xf32>
      %mul3A_208 = arith.mulf %sub3A_197, %get3A_13 : vector<16xf32>
      %add3A_209 = arith.addf %add3A_207, %mul3A_208 : vector<16xf32>
      %mul3A_210 = arith.mulf %sub3A_201, %get3A_17 : vector<16xf32>
      %add3A_211 = arith.addf %add3A_209, %mul3A_210 : vector<16xf32>
      %mul3A_212 = arith.mulf %sub3A_205, %get3A_21 : vector<16xf32>
      %add3A_213 = arith.addf %add3A_211, %mul3A_212 : vector<16xf32>
      %max3A_214 = arith.constant 0.000000e+00 : f32
      %max3A_215 = vector.broadcast %max3A_214 : f32 to vector<16xf32>
      %max3A_216 = arith.maximumf %add3A_213, %max3A_215 : vector<16xf32>
      %add3A_217 = arith.constant 32 : i32
      %add3A_218 = arith.addi %mul3A_126, %add3A_217 : i32
      %swap3A_219 = arith.index_cast %add3A_218 : i32 to index
      %swap3A_220 = tpu.vector_load %arg15[%swap3A_219] {strides = array<i32>} : memref<32768xf32, #tpu.memory_space<vmem>>, vector<16xf32>,
      tpu.vector_store %arg15[%swap3A_219], %max3A_216 {strides = array<i32>} : memref<32768xf32, #tpu.memory_space<vmem>>, vector<16xf32>,
      %add3A_221 = arith.constant 6 : i32
      %add3A_222 = vector.broadcast %add3A_221 : i32 to vector<16xi32>
      %add3A_223 = arith.addi %shift_right_arithmetic3A_25, %add3A_222 : vector<16xi32>
      %broadcast_in_dim3A_224 = vector.shape_cast %add3A_223 : vector<16xi32> to vector<16x1xi32>
      %gather3A_225 = vector.shape_cast %broadcast_in_dim3A_224 : vector<16x1xi32> to vector<16xi32>
      %gather3A_226 = tpu.dynamic_gather %gather3A_127[%gather3A_225] in [0] : vector<16xf32>, vector<16xi32> -> vector<16xf32>
      %sub3A_227 = arith.subf %gather3A_226, %gather3A : vector<16xf32>
      %broadcast_in_dim3A_228 = vector.shape_cast %add3A_223 : vector<16xi32> to vector<16x1xi32>
      %gather3A_229 = vector.shape_cast %broadcast_in_dim3A_228 : vector<16x1xi32> to vector<16xi32>
      %gather3A_230 = tpu.dynamic_gather %gather3A_128[%gather3A_229] in [0] : vector<16xf32>, vector<16xi32> -> vector<16xf32>
      %sub3A_231 = arith.subf %gather3A_230, %gather3A_71 : vector<16xf32>
      %broadcast_in_dim3A_232 = vector.shape_cast %add3A_223 : vector<16xi32> to vector<16x1xi32>
      %gather3A_233 = vector.shape_cast %broadcast_in_dim3A_232 : vector<16x1xi32> to vector<16xi32>
      %gather3A_234 = tpu.dynamic_gather %gather3A_129[%gather3A_233] in [0] : vector<16xf32>, vector<16xi32> -> vector<16xf32>
      %sub3A_235 = arith.subf %gather3A_234, %gather3A_123 : vector<16xf32>
      %broadcast_in_dim3A_236 = vector.shape_cast %add3A_223 : vector<16xi32> to vector<16x1xi32>
      %gather3A_237 = vector.shape_cast %broadcast_in_dim3A_236 : vector<16x1xi32> to vector<16xi32>
      %gather3A_238 = tpu.dynamic_gather %gather3A_130[%gather3A_237] in [0] : vector<16xf32>, vector<16xi32> -> vector<16xf32>
      %sub3A_239 = arith.subf %gather3A_238, %gather3A_124 : vector<16xf32>
      %mul3A_240 = arith.mulf %sub3A_227, %get3A_9 : vector<16xf32>
      %add3A_241 = arith.addf %get3A_23, %mul3A_240 : vector<16xf32>
      %mul3A_242 = arith.mulf %sub3A_231, %get3A_13 : vector<16xf32>
      %add3A_243 = arith.addf %add3A_241, %mul3A_242 : vector<16xf32>
      %mul3A_244 = arith.mulf %sub3A_235, %get3A_17 : vector<16xf32>
      %add3A_245 = arith.addf %add3A_243, %mul3A_244 : vector<16xf32>
      %mul3A_246 = arith.mulf %sub3A_239, %get3A_21 : vector<16xf32>
      %add3A_247 = arith.addf %add3A_245, %mul3A_246 : vector<16xf32>
      %max3A_248 = arith.constant 0.000000e+00 : f32
      %max3A_249 = vector.broadcast %max3A_248 : f32 to vector<16xf32>
      %max3A_250 = arith.maximumf %add3A_247, %max3A_249 : vector<16xf32>
      %add3A_251 = arith.constant 48 : i32
      %add3A_252 = arith.addi %mul3A_126, %add3A_251 : i32
      %swap3A_253 = arith.index_cast %add3A_252 : i32 to index
      %swap3A_254 = tpu.vector_load %arg15[%swap3A_253] {strides = array<i32>} : memref<32768xf32, #tpu.memory_space<vmem>>, vector<16xf32>,
      tpu.vector_store %arg15[%swap3A_253], %max3A_250 {strides = array<i32>} : memref<32768xf32, #tpu.memory_space<vmem>>, vector<16xf32>,
      %eq3A_255 = arith.constant 0.000000e+00 : f32
      %eq3A_256 = vector.broadcast %eq3A_255 : f32 to vector<16xf32>
      %eq3A_257 = arith.cmpf oeq, %scan3A_79#8, %eq3A_256 : vector<16xf32>
      %jit3A_258 = arith.constant 3.000000e+38 : f32
      %broadcast_in_dim3A_259 = vector.broadcast %jit3A_258 : f32 to vector<16xf32>
      %select_n3A_260 = arith.select %eq3A_257, %broadcast_in_dim3A_259, %scan3A_79#8 : vector<16xi1>, vector<16xf32>
      %eq3A_261 = arith.constant 0.000000e+00 : f32
      %eq3A_262 = vector.broadcast %eq3A_261 : f32 to vector<16xf32>
      %eq3A_263 = arith.cmpf oeq, %scan3A_79#10, %eq3A_262 : vector<16xf32>
      %jit3A_264 = arith.constant 3.000000e+38 : f32
      %broadcast_in_dim3A_265 = vector.broadcast %jit3A_264 : f32 to vector<16xf32>
      %select_n3A_266 = arith.select %eq3A_263, %broadcast_in_dim3A_265, %scan3A_79#10 : vector<16xi1>, vector<16xf32>
      %eq3A_267 = arith.constant 0.000000e+00 : f32
      %eq3A_268 = vector.broadcast %eq3A_267 : f32 to vector<16xf32>
      %eq3A_269 = arith.cmpf oeq, %scan3A_79#12, %eq3A_268 : vector<16xf32>
      %jit3A_270 = arith.constant 3.000000e+38 : f32
      %broadcast_in_dim3A_271 = vector.broadcast %jit3A_270 : f32 to vector<16xf32>
      %select_n3A_272 = arith.select %eq3A_269, %broadcast_in_dim3A_271, %scan3A_79#12 : vector<16xi1>, vector<16xf32>
      %eq3A_273 = arith.constant 0.000000e+00 : f32
      %eq3A_274 = vector.broadcast %eq3A_273 : f32 to vector<16xf32>
      %eq3A_275 = arith.cmpf oeq, %scan3A_79#14, %eq3A_274 : vector<16xf32>
      %jit3A_276 = arith.constant 3.000000e+38 : f32
      %broadcast_in_dim3A_277 = vector.broadcast %jit3A_276 : f32 to vector<16xf32>
      %select_n3A_278 = arith.select %eq3A_275, %broadcast_in_dim3A_277, %scan3A_79#14 : vector<16xi1>, vector<16xf32>
      %select_n3A_279 = arith.select %eq3A_27, %select_n3A_266, %select_n3A_260 : vector<16xi1>, vector<16xf32>
      %select_n3A_280 = arith.select %eq3A_27, %scan3A_79#11, %scan3A_79#9 : vector<16xi1>, vector<16xi32>
      %masked_sort3A_281 = arith.constant dense<true> : vector<16xi1>
      %masked_sort3A_282, %masked_sort3A_283, %masked_sort3A_284 = tpu.sort %select_n3A_279, %select_n3A_280 masked %masked_sort3A_281 {descending = true} : (vector<16xf32>, vector<16xi32>, vector<16xi1>) -> (vector<16xi1>, vector<16xf32>, vector<16xi32>)
      %select_n3A_285 = arith.select %eq3A_27, %select_n3A_278, %select_n3A_272 : vector<16xi1>, vector<16xf32>
      %select_n3A_286 = arith.select %eq3A_27, %scan3A_79#15, %scan3A_79#13 : vector<16xi1>, vector<16xi32>
      %masked_sort3A_287 = arith.constant dense<true> : vector<16xi1>
      %masked_sort3A_288, %masked_sort3A_289, %masked_sort3A_290 = tpu.sort %select_n3A_285, %select_n3A_286 masked %masked_sort3A_287 : (vector<16xf32>, vector<16xi32>, vector<16xi1>) -> (vector<16xi1>, vector<16xf32>, vector<16xi32>)
      %select_n3A_291 = arith.select %eq3A_27, %masked_sort3A_289, %masked_sort3A_283 : vector<16xi1>, vector<16xf32>
      %select_n3A_292 = arith.select %eq3A_27, %masked_sort3A_290, %masked_sort3A_284 : vector<16xi1>, vector<16xi32>
      %masked_sort3A_293 = arith.constant dense<true> : vector<16xi1>
      %masked_sort3A_294, %masked_sort3A_295, %masked_sort3A_296 = tpu.sort %select_n3A_291, %select_n3A_292 masked %masked_sort3A_293 {descending = true} : (vector<16xf32>, vector<16xi32>, vector<16xi1>) -> (vector<16xi1>, vector<16xf32>, vector<16xi32>)
      %broadcast_in_dim3A_297 = vector.shape_cast %sub3A_29 : vector<16xi32> to vector<16x1xi32>
      %gather3A_298 = vector.shape_cast %broadcast_in_dim3A_297 : vector<16x1xi32> to vector<16xi32>
      %gather3A_299 = tpu.dynamic_gather %masked_sort3A_296[%gather3A_298] in [0] : vector<16xi32>, vector<16xi32> -> vector<16xi32>
      %gather3A_300 = tpu.vector_load_idx %arg11[%broadcast_in_dim3A_65] : memref<512xf32, #tpu.memory_space<vmem>>[vector<16xi32>], vector<16xf32>,
      %gather3A_301 = tpu.vector_load_idx %arg12[%broadcast_in_dim3A_65] : memref<512xf32, #tpu.memory_space<vmem>>[vector<16xi32>], vector<16xf32>,
      %mul3A_302 = arith.constant 64 : i32
      %mul3A_303 = arith.muli %add3A_55, %mul3A_302 : i32
      %gather3A_304 = tpu.vector_load_idx %arg9[%gather3A_299] : memref<512xf32, #tpu.memory_space<vmem>>[vector<16xi32>], vector<16xf32>,
      %gather3A_305 = tpu.vector_load_idx %arg10[%gather3A_299] : memref<512xf32, #tpu.memory_space<vmem>>[vector<16xi32>], vector<16xf32>,
      %gather3A_306 = tpu.vector_load_idx %arg11[%gather3A_299] : memref<512xf32, #tpu.memory_space<vmem>>[vector<16xi32>], vector<16xf32>,
      %gather3A_307 = tpu.vector_load_idx %arg12[%gather3A_299] : memref<512xf32, #tpu.memory_space<vmem>>[vector<16xi32>], vector<16xf32>,
      %add3A_308 = arith.constant 0 : i32
      %add3A_309 = vector.broadcast %add3A_308 : i32 to vector<16xi32>
      %add3A_310 = arith.addi %shift_right_arithmetic3A_25, %add3A_309 : vector<16xi32>
      %broadcast_in_dim3A_311 = vector.shape_cast %add3A_310 : vector<16xi32> to vector<16x1xi32>
      %gather3A_312 = vector.shape_cast %broadcast_in_dim3A_311 : vector<16x1xi32> to vector<16xi32>
      %gather3A_313 = tpu.dynamic_gather %gather3A_299[%gather3A_312] in [0] : vector<16xi32>, vector<16xi32> -> vector<16xi32>
      %gather3A_314 = tpu.vector_load_idx %arg9[%gather3A_313] : memref<512xf32, #tpu.memory_space<vmem>>[vector<16xi32>], vector<16xf32>,
      %sub3A_315 = arith.subf %gather3A_314, %gather3A_68 : vector<16xf32>
      %gather3A_316 = tpu.vector_load_idx %arg10[%gather3A_313] : memref<512xf32, #tpu.memory_space<vmem>>[vector<16xi32>], vector<16xf32>,
      %sub3A_317 = arith.subf %gather3A_316, %gather3A_72 : vector<16xf32>
      %gather3A_318 = tpu.vector_load_idx %arg11[%gather3A_313] : memref<512xf32, #tpu.memory_space<vmem>>[vector<16xi32>], vector<16xf32>,
      %sub3A_319 = arith.subf %gather3A_318, %gather3A_300 : vector<16xf32>
      %gather3A_320 = tpu.vector_load_idx %arg12[%gather3A_313] : memref<512xf32, #tpu.memory_space<vmem>>[vector<16xi32>], vector<16xf32>,
      %sub3A_321 = arith.subf %gather3A_320, %gather3A_301 : vector<16xf32>
      %mul3A_322 = arith.mulf %sub3A_315, %get3A_9 : vector<16xf32>
      %add3A_323 = arith.addf %get3A_23, %mul3A_322 : vector<16xf32>
      %mul3A_324 = arith.mulf %sub3A_317, %get3A_13 : vector<16xf32>
      %add3A_325 = arith.addf %add3A_323, %mul3A_324 : vector<16xf32>
      %mul3A_326 = arith.mulf %sub3A_319, %get3A_17 : vector<16xf32>
      %add3A_327 = arith.addf %add3A_325, %mul3A_326 : vector<16xf32>
      %mul3A_328 = arith.mulf %sub3A_321, %get3A_21 : vector<16xf32>
      %add3A_329 = arith.addf %add3A_327, %mul3A_328 : vector<16xf32>
      %max3A_330 = arith.constant 0.000000e+00 : f32
      %max3A_331 = vector.broadcast %max3A_330 : f32 to vector<16xf32>
      %max3A_332 = arith.maximumf %add3A_329, %max3A_331 : vector<16xf32>
      %add3A_333 = arith.constant 0 : i32
      %add3A_334 = arith.addi %mul3A_303, %add3A_333 : i32
      %swap3A_335 = arith.index_cast %add3A_334 : i32 to index
      %swap3A_336 = tpu.vector_load %arg15[%swap3A_335] {strides = array<i32>} : memref<32768xf32, #tpu.memory_space<vmem>>, vector<16xf32>,
      tpu.vector_store %arg15[%swap3A_335], %max3A_332 {strides = array<i32>} : memref<32768xf32, #tpu.memory_space<vmem>>, vector<16xf32>,
      %add3A_337 = arith.constant 2 : i32
      %add3A_338 = vector.broadcast %add3A_337 : i32 to vector<16xi32>
      %add3A_339 = arith.addi %shift_right_arithmetic3A_25, %add3A_338 : vector<16xi32>
      %broadcast_in_dim3A_340 = vector.shape_cast %add3A_339 : vector<16xi32> to vector<16x1xi32>
      %gather3A_341 = vector.shape_cast %broadcast_in_dim3A_340 : vector<16x1xi32> to vector<16xi32>
      %gather3A_342 = tpu.dynamic_gather %gather3A_299[%gather3A_341] in [0] : vector<16xi32>, vector<16xi32> -> vector<16xi32>
      %gather3A_343 = tpu.vector_load_idx %arg9[%gather3A_342] : memref<512xf32, #tpu.memory_space<vmem>>[vector<16xi32>], vector<16xf32>,
      %sub3A_344 = arith.subf %gather3A_343, %gather3A_68 : vector<16xf32>
      %gather3A_345 = tpu.vector_load_idx %arg10[%gather3A_342] : memref<512xf32, #tpu.memory_space<vmem>>[vector<16xi32>], vector<16xf32>,
      %sub3A_346 = arith.subf %gather3A_345, %gather3A_72 : vector<16xf32>
      %gather3A_347 = tpu.vector_load_idx %arg11[%gather3A_342] : memref<512xf32, #tpu.memory_space<vmem>>[vector<16xi32>], vector<16xf32>,
      %sub3A_348 = arith.subf %gather3A_347, %gather3A_300 : vector<16xf32>
      %gather3A_349 = tpu.vector_load_idx %arg12[%gather3A_342] : memref<512xf32, #tpu.memory_space<vmem>>[vector<16xi32>], vector<16xf32>,
      %sub3A_350 = arith.subf %gather3A_349, %gather3A_301 : vector<16xf32>
      %mul3A_351 = arith.mulf %sub3A_344, %get3A_9 : vector<16xf32>
      %add3A_352 = arith.addf %get3A_23, %mul3A_351 : vector<16xf32>
      %mul3A_353 = arith.mulf %sub3A_346, %get3A_13 : vector<16xf32>
      %add3A_354 = arith.addf %add3A_352, %mul3A_353 : vector<16xf32>
      %mul3A_355 = arith.mulf %sub3A_348, %get3A_17 : vector<16xf32>
      %add3A_356 = arith.addf %add3A_354, %mul3A_355 : vector<16xf32>
      %mul3A_357 = arith.mulf %sub3A_350, %get3A_21 : vector<16xf32>
      %add3A_358 = arith.addf %add3A_356, %mul3A_357 : vector<16xf32>
      %max3A_359 = arith.constant 0.000000e+00 : f32
      %max3A_360 = vector.broadcast %max3A_359 : f32 to vector<16xf32>
      %max3A_361 = arith.maximumf %add3A_358, %max3A_360 : vector<16xf32>
      %add3A_362 = arith.constant 16 : i32
      %add3A_363 = arith.addi %mul3A_303, %add3A_362 : i32
      %swap3A_364 = arith.index_cast %add3A_363 : i32 to index
      %swap3A_365 = tpu.vector_load %arg15[%swap3A_364] {strides = array<i32>} : memref<32768xf32, #tpu.memory_space<vmem>>, vector<16xf32>,
      tpu.vector_store %arg15[%swap3A_364], %max3A_361 {strides = array<i32>} : memref<32768xf32, #tpu.memory_space<vmem>>, vector<16xf32>,
      %add3A_366 = arith.constant 4 : i32
      %add3A_367 = vector.broadcast %add3A_366 : i32 to vector<16xi32>
      %add3A_368 = arith.addi %shift_right_arithmetic3A_25, %add3A_367 : vector<16xi32>
      %broadcast_in_dim3A_369 = vector.shape_cast %add3A_368 : vector<16xi32> to vector<16x1xi32>
      %gather3A_370 = vector.shape_cast %broadcast_in_dim3A_369 : vector<16x1xi32> to vector<16xi32>
      %gather3A_371 = tpu.dynamic_gather %gather3A_304[%gather3A_370] in [0] : vector<16xf32>, vector<16xi32> -> vector<16xf32>
      %sub3A_372 = arith.subf %gather3A_371, %gather3A_68 : vector<16xf32>
      %broadcast_in_dim3A_373 = vector.shape_cast %add3A_368 : vector<16xi32> to vector<16x1xi32>
      %gather3A_374 = vector.shape_cast %broadcast_in_dim3A_373 : vector<16x1xi32> to vector<16xi32>
      %gather3A_375 = tpu.dynamic_gather %gather3A_305[%gather3A_374] in [0] : vector<16xf32>, vector<16xi32> -> vector<16xf32>
      %sub3A_376 = arith.subf %gather3A_375, %gather3A_72 : vector<16xf32>
      %broadcast_in_dim3A_377 = vector.shape_cast %add3A_368 : vector<16xi32> to vector<16x1xi32>
      %gather3A_378 = vector.shape_cast %broadcast_in_dim3A_377 : vector<16x1xi32> to vector<16xi32>
      %gather3A_379 = tpu.dynamic_gather %gather3A_306[%gather3A_378] in [0] : vector<16xf32>, vector<16xi32> -> vector<16xf32>
      %sub3A_380 = arith.subf %gather3A_379, %gather3A_300 : vector<16xf32>
      %broadcast_in_dim3A_381 = vector.shape_cast %add3A_368 : vector<16xi32> to vector<16x1xi32>
      %gather3A_382 = vector.shape_cast %broadcast_in_dim3A_381 : vector<16x1xi32> to vector<16xi32>
      %gather3A_383 = tpu.dynamic_gather %gather3A_307[%gather3A_382] in [0] : vector<16xf32>, vector<16xi32> -> vector<16xf32>
      %sub3A_384 = arith.subf %gather3A_383, %gather3A_301 : vector<16xf32>
      %mul3A_385 = arith.mulf %sub3A_372, %get3A_9 : vector<16xf32>
      %add3A_386 = arith.addf %get3A_23, %mul3A_385 : vector<16xf32>
      %mul3A_387 = arith.mulf %sub3A_376, %get3A_13 : vector<16xf32>
      %add3A_388 = arith.addf %add3A_386, %mul3A_387 : vector<16xf32>
      %mul3A_389 = arith.mulf %sub3A_380, %get3A_17 : vector<16xf32>
      %add3A_390 = arith.addf %add3A_388, %mul3A_389 : vector<16xf32>
      %mul3A_391 = arith.mulf %sub3A_384, %get3A_21 : vector<16xf32>
      %add3A_392 = arith.addf %add3A_390, %mul3A_391 : vector<16xf32>
      %max3A_393 = arith.constant 0.000000e+00 : f32
      %max3A_394 = vector.broadcast %max3A_393 : f32 to vector<16xf32>
      %max3A_395 = arith.maximumf %add3A_392, %max3A_394 : vector<16xf32>
      %add3A_396 = arith.constant 32 : i32
      %add3A_397 = arith.addi %mul3A_303, %add3A_396 : i32
      %swap3A_398 = arith.index_cast %add3A_397 : i32 to index
      %swap3A_399 = tpu.vector_load %arg15[%swap3A_398] {strides = array<i32>} : memref<32768xf32, #tpu.memory_space<vmem>>, vector<16xf32>,
      tpu.vector_store %arg15[%swap3A_398], %max3A_395 {strides = array<i32>} : memref<32768xf32, #tpu.memory_space<vmem>>, vector<16xf32>,
      %add3A_400 = arith.constant 6 : i32
      %add3A_401 = vector.broadcast %add3A_400 : i32 to vector<16xi32>
      %add3A_402 = arith.addi %shift_right_arithmetic3A_25, %add3A_401 : vector<16xi32>
      %broadcast_in_dim3A_403 = vector.shape_cast %add3A_402 : vector<16xi32> to vector<16x1xi32>
      %gather3A_404 = vector.shape_cast %broadcast_in_dim3A_403 : vector<16x1xi32> to vector<16xi32>
      %gather3A_405 = tpu.dynamic_gather %gather3A_304[%gather3A_404] in [0] : vector<16xf32>, vector<16xi32> -> vector<16xf32>
      %sub3A_406 = arith.subf %gather3A_405, %gather3A_68 : vector<16xf32>
      %broadcast_in_dim3A_407 = vector.shape_cast %add3A_402 : vector<16xi32> to vector<16x1xi32>
      %gather3A_408 = vector.shape_cast %broadcast_in_dim3A_407 : vector<16x1xi32> to vector<16xi32>
      %gather3A_409 = tpu.dynamic_gather %gather3A_305[%gather3A_408] in [0] : vector<16xf32>, vector<16xi32> -> vector<16xf32>
      %sub3A_410 = arith.subf %gather3A_409, %gather3A_72 : vector<16xf32>
      %broadcast_in_dim3A_411 = vector.shape_cast %add3A_402 : vector<16xi32> to vector<16x1xi32>
      %gather3A_412 = vector.shape_cast %broadcast_in_dim3A_411 : vector<16x1xi32> to vector<16xi32>
      %gather3A_413 = tpu.dynamic_gather %gather3A_306[%gather3A_412] in [0] : vector<16xf32>, vector<16xi32> -> vector<16xf32>
      %sub3A_414 = arith.subf %gather3A_413, %gather3A_300 : vector<16xf32>
      %broadcast_in_dim3A_415 = vector.shape_cast %add3A_402 : vector<16xi32> to vector<16x1xi32>
      %gather3A_416 = vector.shape_cast %broadcast_in_dim3A_415 : vector<16x1xi32> to vector<16xi32>
      %gather3A_417 = tpu.dynamic_gather %gather3A_307[%gather3A_416] in [0] : vector<16xf32>, vector<16xi32> -> vector<16xf32>
      %sub3A_418 = arith.subf %gather3A_417, %gather3A_301 : vector<16xf32>
      %mul3A_419 = arith.mulf %sub3A_406, %get3A_9 : vector<16xf32>
      %add3A_420 = arith.addf %get3A_23, %mul3A_419 : vector<16xf32>
      %mul3A_421 = arith.mulf %sub3A_410, %get3A_13 : vector<16xf32>
      %add3A_422 = arith.addf %add3A_420, %mul3A_421 : vector<16xf32>
      %mul3A_423 = arith.mulf %sub3A_414, %get3A_17 : vector<16xf32>
      %add3A_424 = arith.addf %add3A_422, %mul3A_423 : vector<16xf32>
      %mul3A_425 = arith.mulf %sub3A_418, %get3A_21 : vector<16xf32>
      %add3A_426 = arith.addf %add3A_424, %mul3A_425 : vector<16xf32>
      %max3A_427 = arith.constant 0.000000e+00 : f32
      %max3A_428 = vector.broadcast %max3A_427 : f32 to vector<16xf32>
      %max3A_429 = arith.maximumf %add3A_426, %max3A_428 : vector<16xf32>
      %add3A_430 = arith.constant 48 : i32
      %add3A_431 = arith.addi %mul3A_303, %add3A_430 : i32
      %swap3A_432 = arith.index_cast %add3A_431 : i32 to index
      %swap3A_433 = tpu.vector_load %arg15[%swap3A_432] {strides = array<i32>} : memref<32768xf32, #tpu.memory_space<vmem>>, vector<16xf32>,
      tpu.vector_store %arg15[%swap3A_432], %max3A_429 {strides = array<i32>} : memref<32768xf32, #tpu.memory_space<vmem>>, vector<16xf32>,
      %eq3A_434 = arith.constant 0.000000e+00 : f32
      %eq3A_435 = vector.broadcast %eq3A_434 : f32 to vector<16xf32>
      %eq3A_436 = arith.cmpf oeq, %scan3A_79#16, %eq3A_435 : vector<16xf32>
      %jit3A_437 = arith.constant 3.000000e+38 : f32
      %broadcast_in_dim3A_438 = vector.broadcast %jit3A_437 : f32 to vector<16xf32>
      %select_n3A_439 = arith.select %eq3A_436, %broadcast_in_dim3A_438, %scan3A_79#16 : vector<16xi1>, vector<16xf32>
      %eq3A_440 = arith.constant 0.000000e+00 : f32
      %eq3A_441 = vector.broadcast %eq3A_440 : f32 to vector<16xf32>
      %eq3A_442 = arith.cmpf oeq, %scan3A_79#18, %eq3A_441 : vector<16xf32>
      %jit3A_443 = arith.constant 3.000000e+38 : f32
      %broadcast_in_dim3A_444 = vector.broadcast %jit3A_443 : f32 to vector<16xf32>
      %select_n3A_445 = arith.select %eq3A_442, %broadcast_in_dim3A_444, %scan3A_79#18 : vector<16xi1>, vector<16xf32>
      %eq3A_446 = arith.constant 0.000000e+00 : f32
      %eq3A_447 = vector.broadcast %eq3A_446 : f32 to vector<16xf32>
      %eq3A_448 = arith.cmpf oeq, %scan3A_79#20, %eq3A_447 : vector<16xf32>
      %jit3A_449 = arith.constant 3.000000e+38 : f32
      %broadcast_in_dim3A_450 = vector.broadcast %jit3A_449 : f32 to vector<16xf32>
      %select_n3A_451 = arith.select %eq3A_448, %broadcast_in_dim3A_450, %scan3A_79#20 : vector<16xi1>, vector<16xf32>
      %eq3A_452 = arith.constant 0.000000e+00 : f32
      %eq3A_453 = vector.broadcast %eq3A_452 : f32 to vector<16xf32>
      %eq3A_454 = arith.cmpf oeq, %scan3A_79#22, %eq3A_453 : vector<16xf32>
      %jit3A_455 = arith.constant 3.000000e+38 : f32
      %broadcast_in_dim3A_456 = vector.broadcast %jit3A_455 : f32 to vector<16xf32>
      %select_n3A_457 = arith.select %eq3A_454, %broadcast_in_dim3A_456, %scan3A_79#22 : vector<16xi1>, vector<16xf32>
      %select_n3A_458 = arith.select %eq3A_27, %select_n3A_445, %select_n3A_439 : vector<16xi1>, vector<16xf32>
      %select_n3A_459 = arith.select %eq3A_27, %scan3A_79#19, %scan3A_79#17 : vector<16xi1>, vector<16xi32>
      %masked_sort3A_460 = arith.constant dense<true> : vector<16xi1>
      %masked_sort3A_461, %masked_sort3A_462, %masked_sort3A_463 = tpu.sort %select_n3A_458, %select_n3A_459 masked %masked_sort3A_460 {descending = true} : (vector<16xf32>, vector<16xi32>, vector<16xi1>) -> (vector<16xi1>, vector<16xf32>, vector<16xi32>)
      %select_n3A_464 = arith.select %eq3A_27, %select_n3A_457, %select_n3A_451 : vector<16xi1>, vector<16xf32>
      %select_n3A_465 = arith.select %eq3A_27, %scan3A_79#23, %scan3A_79#21 : vector<16xi1>, vector<16xi32>
      %masked_sort3A_466 = arith.constant dense<true> : vector<16xi1>
      %masked_sort3A_467, %masked_sort3A_468, %masked_sort3A_469 = tpu.sort %select_n3A_464, %select_n3A_465 masked %masked_sort3A_466 : (vector<16xf32>, vector<16xi32>, vector<16xi1>) -> (vector<16xi1>, vector<16xf32>, vector<16xi32>)
      %select_n3A_470 = arith.select %eq3A_27, %masked_sort3A_468, %masked_sort3A_462 : vector<16xi1>, vector<16xf32>
      %select_n3A_471 = arith.select %eq3A_27, %masked_sort3A_469, %masked_sort3A_463 : vector<16xi1>, vector<16xi32>
      %masked_sort3A_472 = arith.constant dense<true> : vector<16xi1>
      %masked_sort3A_473, %masked_sort3A_474, %masked_sort3A_475 = tpu.sort %select_n3A_470, %select_n3A_471 masked %masked_sort3A_472 {descending = true} : (vector<16xf32>, vector<16xi32>, vector<16xi1>) -> (vector<16xi1>, vector<16xf32>, vector<16xi32>)
      %broadcast_in_dim3A_476 = vector.shape_cast %sub3A_29 : vector<16xi32> to vector<16x1xi32>
      %gather3A_477 = vector.shape_cast %broadcast_in_dim3A_476 : vector<16x1xi32> to vector<16xi32>
      %gather3A_478 = tpu.dynamic_gather %masked_sort3A_475[%gather3A_477] in [0] : vector<16xi32>, vector<16xi32> -> vector<16xi32>
      %gather3A_479 = tpu.vector_load_idx %arg11[%broadcast_in_dim3A_66] : memref<512xf32, #tpu.memory_space<vmem>>[vector<16xi32>], vector<16xf32>,
      %gather3A_480 = tpu.vector_load_idx %arg12[%broadcast_in_dim3A_66] : memref<512xf32, #tpu.memory_space<vmem>>[vector<16xi32>], vector<16xf32>,
      %mul3A_481 = arith.constant 64 : i32
      %mul3A_482 = arith.muli %add3A_59, %mul3A_481 : i32
      %gather3A_483 = tpu.vector_load_idx %arg9[%gather3A_478] : memref<512xf32, #tpu.memory_space<vmem>>[vector<16xi32>], vector<16xf32>,
      %gather3A_484 = tpu.vector_load_idx %arg10[%gather3A_478] : memref<512xf32, #tpu.memory_space<vmem>>[vector<16xi32>], vector<16xf32>,
      %gather3A_485 = tpu.vector_load_idx %arg11[%gather3A_478] : memref<512xf32, #tpu.memory_space<vmem>>[vector<16xi32>], vector<16xf32>,
      %gather3A_486 = tpu.vector_load_idx %arg12[%gather3A_478] : memref<512xf32, #tpu.memory_space<vmem>>[vector<16xi32>], vector<16xf32>,
      %add3A_487 = arith.constant 0 : i32
      %add3A_488 = vector.broadcast %add3A_487 : i32 to vector<16xi32>
      %add3A_489 = arith.addi %shift_right_arithmetic3A_25, %add3A_488 : vector<16xi32>
      %broadcast_in_dim3A_490 = vector.shape_cast %add3A_489 : vector<16xi32> to vector<16x1xi32>
      %gather3A_491 = vector.shape_cast %broadcast_in_dim3A_490 : vector<16x1xi32> to vector<16xi32>
      %gather3A_492 = tpu.dynamic_gather %gather3A_478[%gather3A_491] in [0] : vector<16xi32>, vector<16xi32> -> vector<16xi32>
      %gather3A_493 = tpu.vector_load_idx %arg9[%gather3A_492] : memref<512xf32, #tpu.memory_space<vmem>>[vector<16xi32>], vector<16xf32>,
      %sub3A_494 = arith.subf %gather3A_493, %gather3A_69 : vector<16xf32>
      %gather3A_495 = tpu.vector_load_idx %arg10[%gather3A_492] : memref<512xf32, #tpu.memory_space<vmem>>[vector<16xi32>], vector<16xf32>,
      %sub3A_496 = arith.subf %gather3A_495, %gather3A_73 : vector<16xf32>
      %gather3A_497 = tpu.vector_load_idx %arg11[%gather3A_492] : memref<512xf32, #tpu.memory_space<vmem>>[vector<16xi32>], vector<16xf32>,
      %sub3A_498 = arith.subf %gather3A_497, %gather3A_479 : vector<16xf32>
      %gather3A_499 = tpu.vector_load_idx %arg12[%gather3A_492] : memref<512xf32, #tpu.memory_space<vmem>>[vector<16xi32>], vector<16xf32>,
      %sub3A_500 = arith.subf %gather3A_499, %gather3A_480 : vector<16xf32>
      %mul3A_501 = arith.mulf %sub3A_494, %get3A_9 : vector<16xf32>
      %add3A_502 = arith.addf %get3A_23, %mul3A_501 : vector<16xf32>
      %mul3A_503 = arith.mulf %sub3A_496, %get3A_13 : vector<16xf32>
      %add3A_504 = arith.addf %add3A_502, %mul3A_503 : vector<16xf32>
      %mul3A_505 = arith.mulf %sub3A_498, %get3A_17 : vector<16xf32>
      %add3A_506 = arith.addf %add3A_504, %mul3A_505 : vector<16xf32>
      %mul3A_507 = arith.mulf %sub3A_500, %get3A_21 : vector<16xf32>
      %add3A_508 = arith.addf %add3A_506, %mul3A_507 : vector<16xf32>
      %max3A_509 = arith.constant 0.000000e+00 : f32
      %max3A_510 = vector.broadcast %max3A_509 : f32 to vector<16xf32>
      %max3A_511 = arith.maximumf %add3A_508, %max3A_510 : vector<16xf32>
      %add3A_512 = arith.constant 0 : i32
      %add3A_513 = arith.addi %mul3A_482, %add3A_512 : i32
      %swap3A_514 = arith.index_cast %add3A_513 : i32 to index
      %swap3A_515 = tpu.vector_load %arg15[%swap3A_514] {strides = array<i32>} : memref<32768xf32, #tpu.memory_space<vmem>>, vector<16xf32>,
      tpu.vector_store %arg15[%swap3A_514], %max3A_511 {strides = array<i32>} : memref<32768xf32, #tpu.memory_space<vmem>>, vector<16xf32>,
      %add3A_516 = arith.constant 2 : i32
      %add3A_517 = vector.broadcast %add3A_516 : i32 to vector<16xi32>
      %add3A_518 = arith.addi %shift_right_arithmetic3A_25, %add3A_517 : vector<16xi32>
      %broadcast_in_dim3A_519 = vector.shape_cast %add3A_518 : vector<16xi32> to vector<16x1xi32>
      %gather3A_520 = vector.shape_cast %broadcast_in_dim3A_519 : vector<16x1xi32> to vector<16xi32>
      %gather3A_521 = tpu.dynamic_gather %gather3A_478[%gather3A_520] in [0] : vector<16xi32>, vector<16xi32> -> vector<16xi32>
      %gather3A_522 = tpu.vector_load_idx %arg9[%gather3A_521] : memref<512xf32, #tpu.memory_space<vmem>>[vector<16xi32>], vector<16xf32>,
      %sub3A_523 = arith.subf %gather3A_522, %gather3A_69 : vector<16xf32>
      %gather3A_524 = tpu.vector_load_idx %arg10[%gather3A_521] : memref<512xf32, #tpu.memory_space<vmem>>[vector<16xi32>], vector<16xf32>,
      %sub3A_525 = arith.subf %gather3A_524, %gather3A_73 : vector<16xf32>
      %gather3A_526 = tpu.vector_load_idx %arg11[%gather3A_521] : memref<512xf32, #tpu.memory_space<vmem>>[vector<16xi32>], vector<16xf32>,
      %sub3A_527 = arith.subf %gather3A_526, %gather3A_479 : vector<16xf32>
      %gather3A_528 = tpu.vector_load_idx %arg12[%gather3A_521] : memref<512xf32, #tpu.memory_space<vmem>>[vector<16xi32>], vector<16xf32>,
      %sub3A_529 = arith.subf %gather3A_528, %gather3A_480 : vector<16xf32>
      %mul3A_530 = arith.mulf %sub3A_523, %get3A_9 : vector<16xf32>
      %add3A_531 = arith.addf %get3A_23, %mul3A_530 : vector<16xf32>
      %mul3A_532 = arith.mulf %sub3A_525, %get3A_13 : vector<16xf32>
      %add3A_533 = arith.addf %add3A_531, %mul3A_532 : vector<16xf32>
      %mul3A_534 = arith.mulf %sub3A_527, %get3A_17 : vector<16xf32>
      %add3A_535 = arith.addf %add3A_533, %mul3A_534 : vector<16xf32>
      %mul3A_536 = arith.mulf %sub3A_529, %get3A_21 : vector<16xf32>
      %add3A_537 = arith.addf %add3A_535, %mul3A_536 : vector<16xf32>
      %max3A_538 = arith.constant 0.000000e+00 : f32
      %max3A_539 = vector.broadcast %max3A_538 : f32 to vector<16xf32>
      %max3A_540 = arith.maximumf %add3A_537, %max3A_539 : vector<16xf32>
      %add3A_541 = arith.constant 16 : i32
      %add3A_542 = arith.addi %mul3A_482, %add3A_541 : i32
      %swap3A_543 = arith.index_cast %add3A_542 : i32 to index
      %swap3A_544 = tpu.vector_load %arg15[%swap3A_543] {strides = array<i32>} : memref<32768xf32, #tpu.memory_space<vmem>>, vector<16xf32>,
      tpu.vector_store %arg15[%swap3A_543], %max3A_540 {strides = array<i32>} : memref<32768xf32, #tpu.memory_space<vmem>>, vector<16xf32>,
      %add3A_545 = arith.constant 4 : i32
      %add3A_546 = vector.broadcast %add3A_545 : i32 to vector<16xi32>
      %add3A_547 = arith.addi %shift_right_arithmetic3A_25, %add3A_546 : vector<16xi32>
      %broadcast_in_dim3A_548 = vector.shape_cast %add3A_547 : vector<16xi32> to vector<16x1xi32>
      %gather3A_549 = vector.shape_cast %broadcast_in_dim3A_548 : vector<16x1xi32> to vector<16xi32>
      %gather3A_550 = tpu.dynamic_gather %gather3A_483[%gather3A_549] in [0] : vector<16xf32>, vector<16xi32> -> vector<16xf32>
      %sub3A_551 = arith.subf %gather3A_550, %gather3A_69 : vector<16xf32>
      %broadcast_in_dim3A_552 = vector.shape_cast %add3A_547 : vector<16xi32> to vector<16x1xi32>
      %gather3A_553 = vector.shape_cast %broadcast_in_dim3A_552 : vector<16x1xi32> to vector<16xi32>
      %gather3A_554 = tpu.dynamic_gather %gather3A_484[%gather3A_553] in [0] : vector<16xf32>, vector<16xi32> -> vector<16xf32>
      %sub3A_555 = arith.subf %gather3A_554, %gather3A_73 : vector<16xf32>
      %broadcast_in_dim3A_556 = vector.shape_cast %add3A_547 : vector<16xi32> to vector<16x1xi32>
      %gather3A_557 = vector.shape_cast %broadcast_in_dim3A_556 : vector<16x1xi32> to vector<16xi32>
      %gather3A_558 = tpu.dynamic_gather %gather3A_485[%gather3A_557] in [0] : vector<16xf32>, vector<16xi32> -> vector<16xf32>
      %sub3A_559 = arith.subf %gather3A_558, %gather3A_479 : vector<16xf32>
      %broadcast_in_dim3A_560 = vector.shape_cast %add3A_547 : vector<16xi32> to vector<16x1xi32>
      %gather3A_561 = vector.shape_cast %broadcast_in_dim3A_560 : vector<16x1xi32> to vector<16xi32>
      %gather3A_562 = tpu.dynamic_gather %gather3A_486[%gather3A_561] in [0] : vector<16xf32>, vector<16xi32> -> vector<16xf32>
      %sub3A_563 = arith.subf %gather3A_562, %gather3A_480 : vector<16xf32>
      %mul3A_564 = arith.mulf %sub3A_551, %get3A_9 : vector<16xf32>
      %add3A_565 = arith.addf %get3A_23, %mul3A_564 : vector<16xf32>
      %mul3A_566 = arith.mulf %sub3A_555, %get3A_13 : vector<16xf32>
      %add3A_567 = arith.addf %add3A_565, %mul3A_566 : vector<16xf32>
      %mul3A_568 = arith.mulf %sub3A_559, %get3A_17 : vector<16xf32>
      %add3A_569 = arith.addf %add3A_567, %mul3A_568 : vector<16xf32>
      %mul3A_570 = arith.mulf %sub3A_563, %get3A_21 : vector<16xf32>
      %add3A_571 = arith.addf %add3A_569, %mul3A_570 : vector<16xf32>
      %max3A_572 = arith.constant 0.000000e+00 : f32
      %max3A_573 = vector.broadcast %max3A_572 : f32 to vector<16xf32>
      %max3A_574 = arith.maximumf %add3A_571, %max3A_573 : vector<16xf32>
      %add3A_575 = arith.constant 32 : i32
      %add3A_576 = arith.addi %mul3A_482, %add3A_575 : i32
      %swap3A_577 = arith.index_cast %add3A_576 : i32 to index
      %swap3A_578 = tpu.vector_load %arg15[%swap3A_577] {strides = array<i32>} : memref<32768xf32, #tpu.memory_space<vmem>>, vector<16xf32>,
      tpu.vector_store %arg15[%swap3A_577], %max3A_574 {strides = array<i32>} : memref<32768xf32, #tpu.memory_space<vmem>>, vector<16xf32>,
      %add3A_579 = arith.constant 6 : i32
      %add3A_580 = vector.broadcast %add3A_579 : i32 to vector<16xi32>
      %add3A_581 = arith.addi %shift_right_arithmetic3A_25, %add3A_580 : vector<16xi32>
      %broadcast_in_dim3A_582 = vector.shape_cast %add3A_581 : vector<16xi32> to vector<16x1xi32>
      %gather3A_583 = vector.shape_cast %broadcast_in_dim3A_582 : vector<16x1xi32> to vector<16xi32>
      %gather3A_584 = tpu.dynamic_gather %gather3A_483[%gather3A_583] in [0] : vector<16xf32>, vector<16xi32> -> vector<16xf32>
      %sub3A_585 = arith.subf %gather3A_584, %gather3A_69 : vector<16xf32>
      %broadcast_in_dim3A_586 = vector.shape_cast %add3A_581 : vector<16xi32> to vector<16x1xi32>
      %gather3A_587 = vector.shape_cast %broadcast_in_dim3A_586 : vector<16x1xi32> to vector<16xi32>
      %gather3A_588 = tpu.dynamic_gather %gather3A_484[%gather3A_587] in [0] : vector<16xf32>, vector<16xi32> -> vector<16xf32>
      %sub3A_589 = arith.subf %gather3A_588, %gather3A_73 : vector<16xf32>
      %broadcast_in_dim3A_590 = vector.shape_cast %add3A_581 : vector<16xi32> to vector<16x1xi32>
      %gather3A_591 = vector.shape_cast %broadcast_in_dim3A_590 : vector<16x1xi32> to vector<16xi32>
      %gather3A_592 = tpu.dynamic_gather %gather3A_485[%gather3A_591] in [0] : vector<16xf32>, vector<16xi32> -> vector<16xf32>
      %sub3A_593 = arith.subf %gather3A_592, %gather3A_479 : vector<16xf32>
      %broadcast_in_dim3A_594 = vector.shape_cast %add3A_581 : vector<16xi32> to vector<16x1xi32>
      %gather3A_595 = vector.shape_cast %broadcast_in_dim3A_594 : vector<16x1xi32> to vector<16xi32>
      %gather3A_596 = tpu.dynamic_gather %gather3A_486[%gather3A_595] in [0] : vector<16xf32>, vector<16xi32> -> vector<16xf32>
      %sub3A_597 = arith.subf %gather3A_596, %gather3A_480 : vector<16xf32>
      %mul3A_598 = arith.mulf %sub3A_585, %get3A_9 : vector<16xf32>
      %add3A_599 = arith.addf %get3A_23, %mul3A_598 : vector<16xf32>
      %mul3A_600 = arith.mulf %sub3A_589, %get3A_13 : vector<16xf32>
      %add3A_601 = arith.addf %add3A_599, %mul3A_600 : vector<16xf32>
      %mul3A_602 = arith.mulf %sub3A_593, %get3A_17 : vector<16xf32>
      %add3A_603 = arith.addf %add3A_601, %mul3A_602 : vector<16xf32>
      %mul3A_604 = arith.mulf %sub3A_597, %get3A_21 : vector<16xf32>
      %add3A_605 = arith.addf %add3A_603, %mul3A_604 : vector<16xf32>
      %max3A_606 = arith.constant 0.000000e+00 : f32
      %max3A_607 = vector.broadcast %max3A_606 : f32 to vector<16xf32>
      %max3A_608 = arith.maximumf %add3A_605, %max3A_607 : vector<16xf32>
      %add3A_609 = arith.constant 48 : i32
      %add3A_610 = arith.addi %mul3A_482, %add3A_609 : i32
      %swap3A_611 = arith.index_cast %add3A_610 : i32 to index
      %swap3A_612 = tpu.vector_load %arg15[%swap3A_611] {strides = array<i32>} : memref<32768xf32, #tpu.memory_space<vmem>>, vector<16xf32>,
      tpu.vector_store %arg15[%swap3A_611], %max3A_608 {strides = array<i32>} : memref<32768xf32, #tpu.memory_space<vmem>>, vector<16xf32>,
      %eq3A_613 = arith.constant 0.000000e+00 : f32
      %eq3A_614 = vector.broadcast %eq3A_613 : f32 to vector<16xf32>
      %eq3A_615 = arith.cmpf oeq, %scan3A_79#24, %eq3A_614 : vector<16xf32>
      %jit3A_616 = arith.constant 3.000000e+38 : f32
      %broadcast_in_dim3A_617 = vector.broadcast %jit3A_616 : f32 to vector<16xf32>
      %select_n3A_618 = arith.select %eq3A_615, %broadcast_in_dim3A_617, %scan3A_79#24 : vector<16xi1>, vector<16xf32>
      %eq3A_619 = arith.constant 0.000000e+00 : f32
      %eq3A_620 = vector.broadcast %eq3A_619 : f32 to vector<16xf32>
      %eq3A_621 = arith.cmpf oeq, %scan3A_79#26, %eq3A_620 : vector<16xf32>
      %jit3A_622 = arith.constant 3.000000e+38 : f32
      %broadcast_in_dim3A_623 = vector.broadcast %jit3A_622 : f32 to vector<16xf32>
      %select_n3A_624 = arith.select %eq3A_621, %broadcast_in_dim3A_623, %scan3A_79#26 : vector<16xi1>, vector<16xf32>
      %eq3A_625 = arith.constant 0.000000e+00 : f32
      %eq3A_626 = vector.broadcast %eq3A_625 : f32 to vector<16xf32>
      %eq3A_627 = arith.cmpf oeq, %scan3A_79#28, %eq3A_626 : vector<16xf32>
      %jit3A_628 = arith.constant 3.000000e+38 : f32
      %broadcast_in_dim3A_629 = vector.broadcast %jit3A_628 : f32 to vector<16xf32>
      %select_n3A_630 = arith.select %eq3A_627, %broadcast_in_dim3A_629, %scan3A_79#28 : vector<16xi1>, vector<16xf32>
      %eq3A_631 = arith.constant 0.000000e+00 : f32
      %eq3A_632 = vector.broadcast %eq3A_631 : f32 to vector<16xf32>
      %eq3A_633 = arith.cmpf oeq, %scan3A_79#30, %eq3A_632 : vector<16xf32>
      %jit3A_634 = arith.constant 3.000000e+38 : f32
      %broadcast_in_dim3A_635 = vector.broadcast %jit3A_634 : f32 to vector<16xf32>
      %select_n3A_636 = arith.select %eq3A_633, %broadcast_in_dim3A_635, %scan3A_79#30 : vector<16xi1>, vector<16xf32>
      %select_n3A_637 = arith.select %eq3A_27, %select_n3A_624, %select_n3A_618 : vector<16xi1>, vector<16xf32>
      %select_n3A_638 = arith.select %eq3A_27, %scan3A_79#27, %scan3A_79#25 : vector<16xi1>, vector<16xi32>
      %masked_sort3A_639 = arith.constant dense<true> : vector<16xi1>
      %masked_sort3A_640, %masked_sort3A_641, %masked_sort3A_642 = tpu.sort %select_n3A_637, %select_n3A_638 masked %masked_sort3A_639 {descending = true} : (vector<16xf32>, vector<16xi32>, vector<16xi1>) -> (vector<16xi1>, vector<16xf32>, vector<16xi32>)
      %select_n3A_643 = arith.select %eq3A_27, %select_n3A_636, %select_n3A_630 : vector<16xi1>, vector<16xf32>
      %select_n3A_644 = arith.select %eq3A_27, %scan3A_79#31, %scan3A_79#29 : vector<16xi1>, vector<16xi32>
      %masked_sort3A_645 = arith.constant dense<true> : vector<16xi1>
      %masked_sort3A_646, %masked_sort3A_647, %masked_sort3A_648 = tpu.sort %select_n3A_643, %select_n3A_644 masked %masked_sort3A_645 : (vector<16xf32>, vector<16xi32>, vector<16xi1>) -> (vector<16xi1>, vector<16xf32>, vector<16xi32>)
      %select_n3A_649 = arith.select %eq3A_27, %masked_sort3A_647, %masked_sort3A_641 : vector<16xi1>, vector<16xf32>
      %select_n3A_650 = arith.select %eq3A_27, %masked_sort3A_648, %masked_sort3A_642 : vector<16xi1>, vector<16xi32>
      %masked_sort3A_651 = arith.constant dense<true> : vector<16xi1>
      %masked_sort3A_652, %masked_sort3A_653, %masked_sort3A_654 = tpu.sort %select_n3A_649, %select_n3A_650 masked %masked_sort3A_651 {descending = true} : (vector<16xf32>, vector<16xi32>, vector<16xi1>) -> (vector<16xi1>, vector<16xf32>, vector<16xi32>)
      %broadcast_in_dim3A_655 = vector.shape_cast %sub3A_29 : vector<16xi32> to vector<16x1xi32>
      %gather3A_656 = vector.shape_cast %broadcast_in_dim3A_655 : vector<16x1xi32> to vector<16xi32>
      %gather3A_657 = tpu.dynamic_gather %masked_sort3A_654[%gather3A_656] in [0] : vector<16xi32>, vector<16xi32> -> vector<16xi32>
      %gather3A_658 = tpu.vector_load_idx %arg11[%broadcast_in_dim3A_67] : memref<512xf32, #tpu.memory_space<vmem>>[vector<16xi32>], vector<16xf32>,
      %gather3A_659 = tpu.vector_load_idx %arg12[%broadcast_in_dim3A_67] : memref<512xf32, #tpu.memory_space<vmem>>[vector<16xi32>], vector<16xf32>,
      %mul3A_660 = arith.constant 64 : i32
      %mul3A_661 = arith.muli %add3A_63, %mul3A_660 : i32
      %gather3A_662 = tpu.vector_load_idx %arg9[%gather3A_657] : memref<512xf32, #tpu.memory_space<vmem>>[vector<16xi32>], vector<16xf32>,
      %gather3A_663 = tpu.vector_load_idx %arg10[%gather3A_657] : memref<512xf32, #tpu.memory_space<vmem>>[vector<16xi32>], vector<16xf32>,
      %gather3A_664 = tpu.vector_load_idx %arg11[%gather3A_657] : memref<512xf32, #tpu.memory_space<vmem>>[vector<16xi32>], vector<16xf32>,
      %gather3A_665 = tpu.vector_load_idx %arg12[%gather3A_657] : memref<512xf32, #tpu.memory_space<vmem>>[vector<16xi32>], vector<16xf32>,
      %add3A_666 = arith.constant 0 : i32
      %add3A_667 = vector.broadcast %add3A_666 : i32 to vector<16xi32>
      %add3A_668 = arith.addi %shift_right_arithmetic3A_25, %add3A_667 : vector<16xi32>
      %broadcast_in_dim3A_669 = vector.shape_cast %add3A_668 : vector<16xi32> to vector<16x1xi32>
      %gather3A_670 = vector.shape_cast %broadcast_in_dim3A_669 : vector<16x1xi32> to vector<16xi32>
      %gather3A_671 = tpu.dynamic_gather %gather3A_657[%gather3A_670] in [0] : vector<16xi32>, vector<16xi32> -> vector<16xi32>
      %gather3A_672 = tpu.vector_load_idx %arg9[%gather3A_671] : memref<512xf32, #tpu.memory_space<vmem>>[vector<16xi32>], vector<16xf32>,
      %sub3A_673 = arith.subf %gather3A_672, %gather3A_70 : vector<16xf32>
      %gather3A_674 = tpu.vector_load_idx %arg10[%gather3A_671] : memref<512xf32, #tpu.memory_space<vmem>>[vector<16xi32>], vector<16xf32>,
      %sub3A_675 = arith.subf %gather3A_674, %gather3A_74 : vector<16xf32>
      %gather3A_676 = tpu.vector_load_idx %arg11[%gather3A_671] : memref<512xf32, #tpu.memory_space<vmem>>[vector<16xi32>], vector<16xf32>,
      %sub3A_677 = arith.subf %gather3A_676, %gather3A_658 : vector<16xf32>
      %gather3A_678 = tpu.vector_load_idx %arg12[%gather3A_671] : memref<512xf32, #tpu.memory_space<vmem>>[vector<16xi32>], vector<16xf32>,
      %sub3A_679 = arith.subf %gather3A_678, %gather3A_659 : vector<16xf32>
      %mul3A_680 = arith.mulf %sub3A_673, %get3A_9 : vector<16xf32>
      %add3A_681 = arith.addf %get3A_23, %mul3A_680 : vector<16xf32>
      %mul3A_682 = arith.mulf %sub3A_675, %get3A_13 : vector<16xf32>
      %add3A_683 = arith.addf %add3A_681, %mul3A_682 : vector<16xf32>
      %mul3A_684 = arith.mulf %sub3A_677, %get3A_17 : vector<16xf32>
      %add3A_685 = arith.addf %add3A_683, %mul3A_684 : vector<16xf32>
      %mul3A_686 = arith.mulf %sub3A_679, %get3A_21 : vector<16xf32>
      %add3A_687 = arith.addf %add3A_685, %mul3A_686 : vector<16xf32>
      %max3A_688 = arith.constant 0.000000e+00 : f32
      %max3A_689 = vector.broadcast %max3A_688 : f32 to vector<16xf32>
      %max3A_690 = arith.maximumf %add3A_687, %max3A_689 : vector<16xf32>
      %add3A_691 = arith.constant 0 : i32
      %add3A_692 = arith.addi %mul3A_661, %add3A_691 : i32
      %swap3A_693 = arith.index_cast %add3A_692 : i32 to index
      %swap3A_694 = tpu.vector_load %arg15[%swap3A_693] {strides = array<i32>} : memref<32768xf32, #tpu.memory_space<vmem>>, vector<16xf32>,
      tpu.vector_store %arg15[%swap3A_693], %max3A_690 {strides = array<i32>} : memref<32768xf32, #tpu.memory_space<vmem>>, vector<16xf32>,
      %add3A_695 = arith.constant 2 : i32
      %add3A_696 = vector.broadcast %add3A_695 : i32 to vector<16xi32>
      %add3A_697 = arith.addi %shift_right_arithmetic3A_25, %add3A_696 : vector<16xi32>
      %broadcast_in_dim3A_698 = vector.shape_cast %add3A_697 : vector<16xi32> to vector<16x1xi32>
      %gather3A_699 = vector.shape_cast %broadcast_in_dim3A_698 : vector<16x1xi32> to vector<16xi32>
      %gather3A_700 = tpu.dynamic_gather %gather3A_657[%gather3A_699] in [0] : vector<16xi32>, vector<16xi32> -> vector<16xi32>
      %gather3A_701 = tpu.vector_load_idx %arg9[%gather3A_700] : memref<512xf32, #tpu.memory_space<vmem>>[vector<16xi32>], vector<16xf32>,
      %sub3A_702 = arith.subf %gather3A_701, %gather3A_70 : vector<16xf32>
      %gather3A_703 = tpu.vector_load_idx %arg10[%gather3A_700] : memref<512xf32, #tpu.memory_space<vmem>>[vector<16xi32>], vector<16xf32>,
      %sub3A_704 = arith.subf %gather3A_703, %gather3A_74 : vector<16xf32>
      %gather3A_705 = tpu.vector_load_idx %arg11[%gather3A_700] : memref<512xf32, #tpu.memory_space<vmem>>[vector<16xi32>], vector<16xf32>,
      %sub3A_706 = arith.subf %gather3A_705, %gather3A_658 : vector<16xf32>
      %gather3A_707 = tpu.vector_load_idx %arg12[%gather3A_700] : memref<512xf32, #tpu.memory_space<vmem>>[vector<16xi32>], vector<16xf32>,
      %sub3A_708 = arith.subf %gather3A_707, %gather3A_659 : vector<16xf32>
      %mul3A_709 = arith.mulf %sub3A_702, %get3A_9 : vector<16xf32>
      %add3A_710 = arith.addf %get3A_23, %mul3A_709 : vector<16xf32>
      %mul3A_711 = arith.mulf %sub3A_704, %get3A_13 : vector<16xf32>
      %add3A_712 = arith.addf %add3A_710, %mul3A_711 : vector<16xf32>
      %mul3A_713 = arith.mulf %sub3A_706, %get3A_17 : vector<16xf32>
      %add3A_714 = arith.addf %add3A_712, %mul3A_713 : vector<16xf32>
      %mul3A_715 = arith.mulf %sub3A_708, %get3A_21 : vector<16xf32>
      %add3A_716 = arith.addf %add3A_714, %mul3A_715 : vector<16xf32>
      %max3A_717 = arith.constant 0.000000e+00 : f32
      %max3A_718 = vector.broadcast %max3A_717 : f32 to vector<16xf32>
      %max3A_719 = arith.maximumf %add3A_716, %max3A_718 : vector<16xf32>
      %add3A_720 = arith.constant 16 : i32
      %add3A_721 = arith.addi %mul3A_661, %add3A_720 : i32
      %swap3A_722 = arith.index_cast %add3A_721 : i32 to index
      %swap3A_723 = tpu.vector_load %arg15[%swap3A_722] {strides = array<i32>} : memref<32768xf32, #tpu.memory_space<vmem>>, vector<16xf32>,
      tpu.vector_store %arg15[%swap3A_722], %max3A_719 {strides = array<i32>} : memref<32768xf32, #tpu.memory_space<vmem>>, vector<16xf32>,
      %add3A_724 = arith.constant 4 : i32
      %add3A_725 = vector.broadcast %add3A_724 : i32 to vector<16xi32>
      %add3A_726 = arith.addi %shift_right_arithmetic3A_25, %add3A_725 : vector<16xi32>
      %broadcast_in_dim3A_727 = vector.shape_cast %add3A_726 : vector<16xi32> to vector<16x1xi32>
      %gather3A_728 = vector.shape_cast %broadcast_in_dim3A_727 : vector<16x1xi32> to vector<16xi32>
      %gather3A_729 = tpu.dynamic_gather %gather3A_662[%gather3A_728] in [0] : vector<16xf32>, vector<16xi32> -> vector<16xf32>
      %sub3A_730 = arith.subf %gather3A_729, %gather3A_70 : vector<16xf32>
      %broadcast_in_dim3A_731 = vector.shape_cast %add3A_726 : vector<16xi32> to vector<16x1xi32>
      %gather3A_732 = vector.shape_cast %broadcast_in_dim3A_731 : vector<16x1xi32> to vector<16xi32>
      %gather3A_733 = tpu.dynamic_gather %gather3A_663[%gather3A_732] in [0] : vector<16xf32>, vector<16xi32> -> vector<16xf32>
      %sub3A_734 = arith.subf %gather3A_733, %gather3A_74 : vector<16xf32>
      %broadcast_in_dim3A_735 = vector.shape_cast %add3A_726 : vector<16xi32> to vector<16x1xi32>
      %gather3A_736 = vector.shape_cast %broadcast_in_dim3A_735 : vector<16x1xi32> to vector<16xi32>
      %gather3A_737 = tpu.dynamic_gather %gather3A_664[%gather3A_736] in [0] : vector<16xf32>, vector<16xi32> -> vector<16xf32>
      %sub3A_738 = arith.subf %gather3A_737, %gather3A_658 : vector<16xf32>
      %broadcast_in_dim3A_739 = vector.shape_cast %add3A_726 : vector<16xi32> to vector<16x1xi32>
      %gather3A_740 = vector.shape_cast %broadcast_in_dim3A_739 : vector<16x1xi32> to vector<16xi32>
      %gather3A_741 = tpu.dynamic_gather %gather3A_665[%gather3A_740] in [0] : vector<16xf32>, vector<16xi32> -> vector<16xf32>
      %sub3A_742 = arith.subf %gather3A_741, %gather3A_659 : vector<16xf32>
      %mul3A_743 = arith.mulf %sub3A_730, %get3A_9 : vector<16xf32>
      %add3A_744 = arith.addf %get3A_23, %mul3A_743 : vector<16xf32>
      %mul3A_745 = arith.mulf %sub3A_734, %get3A_13 : vector<16xf32>
      %add3A_746 = arith.addf %add3A_744, %mul3A_745 : vector<16xf32>
      %mul3A_747 = arith.mulf %sub3A_738, %get3A_17 : vector<16xf32>
      %add3A_748 = arith.addf %add3A_746, %mul3A_747 : vector<16xf32>
      %mul3A_749 = arith.mulf %sub3A_742, %get3A_21 : vector<16xf32>
      %add3A_750 = arith.addf %add3A_748, %mul3A_749 : vector<16xf32>
      %max3A_751 = arith.constant 0.000000e+00 : f32
      %max3A_752 = vector.broadcast %max3A_751 : f32 to vector<16xf32>
      %max3A_753 = arith.maximumf %add3A_750, %max3A_752 : vector<16xf32>
      %add3A_754 = arith.constant 32 : i32
      %add3A_755 = arith.addi %mul3A_661, %add3A_754 : i32
      %swap3A_756 = arith.index_cast %add3A_755 : i32 to index
      %swap3A_757 = tpu.vector_load %arg15[%swap3A_756] {strides = array<i32>} : memref<32768xf32, #tpu.memory_space<vmem>>, vector<16xf32>,
      tpu.vector_store %arg15[%swap3A_756], %max3A_753 {strides = array<i32>} : memref<32768xf32, #tpu.memory_space<vmem>>, vector<16xf32>,
      %add3A_758 = arith.constant 6 : i32
      %add3A_759 = vector.broadcast %add3A_758 : i32 to vector<16xi32>
      %add3A_760 = arith.addi %shift_right_arithmetic3A_25, %add3A_759 : vector<16xi32>
      %broadcast_in_dim3A_761 = vector.shape_cast %add3A_760 : vector<16xi32> to vector<16x1xi32>
      %gather3A_762 = vector.shape_cast %broadcast_in_dim3A_761 : vector<16x1xi32> to vector<16xi32>
      %gather3A_763 = tpu.dynamic_gather %gather3A_662[%gather3A_762] in [0] : vector<16xf32>, vector<16xi32> -> vector<16xf32>
      %sub3A_764 = arith.subf %gather3A_763, %gather3A_70 : vector<16xf32>
      %broadcast_in_dim3A_765 = vector.shape_cast %add3A_760 : vector<16xi32> to vector<16x1xi32>
      %gather3A_766 = vector.shape_cast %broadcast_in_dim3A_765 : vector<16x1xi32> to vector<16xi32>
      %gather3A_767 = tpu.dynamic_gather %gather3A_663[%gather3A_766] in [0] : vector<16xf32>, vector<16xi32> -> vector<16xf32>
      %sub3A_768 = arith.subf %gather3A_767, %gather3A_74 : vector<16xf32>
      %broadcast_in_dim3A_769 = vector.shape_cast %add3A_760 : vector<16xi32> to vector<16x1xi32>
      %gather3A_770 = vector.shape_cast %broadcast_in_dim3A_769 : vector<16x1xi32> to vector<16xi32>
      %gather3A_771 = tpu.dynamic_gather %gather3A_664[%gather3A_770] in [0] : vector<16xf32>, vector<16xi32> -> vector<16xf32>
      %sub3A_772 = arith.subf %gather3A_771, %gather3A_658 : vector<16xf32>
      %broadcast_in_dim3A_773 = vector.shape_cast %add3A_760 : vector<16xi32> to vector<16x1xi32>
      %gather3A_774 = vector.shape_cast %broadcast_in_dim3A_773 : vector<16x1xi32> to vector<16xi32>
      %gather3A_775 = tpu.dynamic_gather %gather3A_665[%gather3A_774] in [0] : vector<16xf32>, vector<16xi32> -> vector<16xf32>
      %sub3A_776 = arith.subf %gather3A_775, %gather3A_659 : vector<16xf32>
      %mul3A_777 = arith.mulf %sub3A_764, %get3A_9 : vector<16xf32>
      %add3A_778 = arith.addf %get3A_23, %mul3A_777 : vector<16xf32>
      %mul3A_779 = arith.mulf %sub3A_768, %get3A_13 : vector<16xf32>
      %add3A_780 = arith.addf %add3A_778, %mul3A_779 : vector<16xf32>
      %mul3A_781 = arith.mulf %sub3A_772, %get3A_17 : vector<16xf32>
      %add3A_782 = arith.addf %add3A_780, %mul3A_781 : vector<16xf32>
      %mul3A_783 = arith.mulf %sub3A_776, %get3A_21 : vector<16xf32>
      %add3A_784 = arith.addf %add3A_782, %mul3A_783 : vector<16xf32>
      %max3A_785 = arith.constant 0.000000e+00 : f32
      %max3A_786 = vector.broadcast %max3A_785 : f32 to vector<16xf32>
      %max3A_787 = arith.maximumf %add3A_784, %max3A_786 : vector<16xf32>
      %add3A_788 = arith.constant 48 : i32
      %add3A_789 = arith.addi %mul3A_661, %add3A_788 : i32
      %swap3A_790 = arith.index_cast %add3A_789 : i32 to index
      %swap3A_791 = tpu.vector_load %arg15[%swap3A_790] {strides = array<i32>} : memref<32768xf32, #tpu.memory_space<vmem>>, vector<16xf32>,
      tpu.vector_store %arg15[%swap3A_790], %max3A_787 {strides = array<i32>} : memref<32768xf32, #tpu.memory_space<vmem>>, vector<16xf32>,
      %scan3A_792 = arith.constant 0 : i32
      scf.yield %scan3A_792 : i32
    }
    %scan3A_39 = arith.constant 128 : i32
    %mul3A_40 = arith.constant 512 : i32
    %mul3A_41 = arith.muli %add3A, %mul3A_40 : i32
    %mul3A_42 = arith.constant 8 : i32
    %mul3A_43 = arith.muli %mul3A_41, %mul3A_42 : i32
    %mul3A_44 = arith.constant 8 : i32
    %mul3A_45 = arith.muli %mul3A_43, %mul3A_44 : i32
    "tpu.region"() ({
      %run_scoped3A = tpu.sem_alloc : memref<!tpu.dma_semaphore, #tpu.memory_space<semaphore_mem>>
      %dma_start3A = tpu.memref_slice %arg8[%mul3A_45] : memref<1048576xf32, #tpu.memory_space<hbm>> -> memref<32768xf32, #tpu.memory_space<hbm>>
      %dma_start3A_46 = tpu.memref_slice %arg8[%mul3A_45] : memref<1048576xf32, #tpu.memory_space<hbm>> -> memref<32768xf32, #tpu.memory_space<hbm>>
      tpu.enqueue_dma source(%arg15 : memref<32768xf32, #tpu.memory_space<vmem>>) target(%dma_start3A_46 : memref<32768xf32, #tpu.memory_space<hbm>>) target_semaphore(%run_scoped3A : memref<!tpu.dma_semaphore, #tpu.memory_space<semaphore_mem>>)
      %dma_wait3A = tpu.memref_slice %arg8[%mul3A_45] : memref<1048576xf32, #tpu.memory_space<hbm>> -> memref<32768xf32, #tpu.memory_space<hbm>>
      %dma_wait3A_47 = tpu.memref_slice %arg8[%mul3A_45] : memref<1048576xf32, #tpu.memory_space<hbm>> -> memref<32768xf32, #tpu.memory_space<hbm>>
      tpu.wait_dma2 semaphore(%run_scoped3A : memref<!tpu.dma_semaphore, #tpu.memory_space<semaphore_mem>>) src(%arg15 : memref<32768xf32, #tpu.memory_space<vmem>>) dst(%dma_wait3A_47 : memref<32768xf32, #tpu.memory_space<hbm>>)
      tpu.yield
    }) : () -> ()
    return
  }
}

</mosaic_0001>

<sc_bundles>
// kernel: kernel.3.cloned.1.call-start
scs
__scs_entry_jumppad:
0x0: {  	(pc) =	sbr.rel $0x88, $3  }
0x1: {  	(tag) =	ssettag $0x0;
	lr =	simm.s32 $0x1  }
0x2: {  	[smem:$0x3F9D] =	sst lr;
	_ =	strace $0xD0000000  }
0x3: {  	_ = 	snop  }
0x4: {  	_ = 	snop  }
0x5: {  	_ = 	snop  }
0x6: {  	_ = 	snop  }
0x7: {  	_ = 	snop  }
__scs_overlays_trampoline_lowered:
0x8: {  	[smem:$0x3FAC] =	sst s0  }
0x9: {  	[smem:$0x3FAD] =	sst s1  }
0xa: {  	[smem:$0x3FAE] =	sst s2  }
0xb: {  	[smem:$0x3FAF] =	sst s3  }
0xc: {  	[smem:$0x3FB0] =	sst s4  }
0xd: {  	[smem:$0x3FB1] =	sst s5  }
0xe: {  	[smem:$0x3FB2] =	sst s6  }
0xf: {  	[smem:$0x3FB3] =	sst s7  }
0x10: {  	[smem:$0x3FB4] =	sst s8  }
0x11: {  	[smem:$0x3FB5] =	sst s9;
	s0 =	simm.s32 @!p0 $0x0  }
0x12: {  	s1 =	sld [smem:$0x3F9B];
	s0 =	simm.s32 @p0 $0x1  }
0x13: {  	[smem:$0x3FB6] =	sst s0;
	s0 =	simm.s32 @!p1 $0x0  }
0x14: {  	s2 =	sld [smem:$0x3F9A];
	s0 =	simm.s32 @p1 $0x1  }
0x15: {  	[smem:$0x3FB7] =	sst s0;
	s0 =	simm.s32 @!p2 $0x0  }
0x16: {  	s3 =	sld [smem:$0x3FDB];
	s0 =	simm.s32 @p2 $0x1  }
0x17: {  	s4 =	simm.s32 $0x1BF5;
	[smem:$0x3FB9] =	sst s0  }
0x18: {  	s0 =	sld [smem:$0x3F9C];
	_ =	swait.ge [sflag:s4], $0x0  }
0x19: {  	s7 =	sld [smem:$0x3F9D]  }
0x1a: {  	s8 =	sadd.s32 $0xFFFFE003, lr  }
0x1b: {  	s9 =	sadd.s32 $0xFFFFFEF7, lr;
	s5 =	simm.s32 $0xFFFFFFFF;
	p2 =	slt.u32 s8, $0xFFFFF086  }
0x1c: {  	p1 =	slt.u32 s9, $0xF7A;
	s5 =	simm.s32 @!p2 $0x0  }
0x1d: {  	s5 =	simm.s32 @p1 $0x1;
	p0 =	seq.s32 s7, s2  }
0x1e: {  	s7 =	smul.u32 @!p0 $0xF7A, s2;
	p2 =	seq.s32 @!p0 s5, $0x0  }
0x1f: {  	s9 =	smul.u32 $0xF7A, s1;
	s8 =	simm.s32 @!p0 $0x1BF5;
	p2 =	por !p2, p0  }
0x20: {  	[sflag:s8] =	ssyncset.s32 @!p0 $0xFFFFF086;
	s6 =	sadd.s32 @!p0 s3, s7;
	s7 =	simm.s32 @!p0 $0x108  }
0x21: {  	s3 =	sadd.s32 s3, s9;
	s6 =	sadd.s32 @!p0 $0x88, s6;
	s7 =	simm.s32 @p2 $0x1082  }
0x22: {  	[simem:s7], [sflag:s8] =	dma.local @!p0 [hbm:s6], $0xF7A  }
0x23: {  	s9 =	sor.u32 $0xD0000000, s2;
	s6 =	simm.s32 $0x108;
	_ =	swait.ge @!p0 [sflag:s8], $0x0  }
0x24: {  	s3 =	sadd.s32 $0x88, s3;
	s6 =	simm.s32 @!p1 $0x1082;
	[sflag:s4] =	ssyncset.s32 $0xFFFFF086  }
0x25: {  	[simem:s6], [sflag:s4] =	dma.local [hbm:s3], $0xF7A  }
0x26: {  	[smem:$0x3F9D] =	sst s1;
	(tag) =	ssettag s2;
	_ =	strace s9  }
0x27: {  	s1 =	sld [smem:$0x3FAD]  }
0x28: {  	s2 =	sld [smem:$0x3FAE]  }
0x29: {  	s4 =	sld [smem:$0x3FB0]  }
0x2a: {  	p0 =	seq.s32 s5, $0x0;
	s5 =	sld [smem:$0x3FB1]  }
0x2b: {  	s6 =	sld [smem:$0x3FB2]  }
0x2c: {  	s7 =	sld [smem:$0x3FB3]  }
0x2d: {  	s3 =	simm.s32 $0x108;
	s8 =	sld [smem:$0x3FB4]  }
0x2e: {  	s3 =	simm.s32 @!p0 $0x1082;
	s9 =	sld [smem:$0x3FB5]  }
0x2f: {  	lr =	sadd.s32 s0, s3;
	s0 =	sld [smem:$0x3FAC]  }
0x30: {  	s3 =	sld [smem:$0x3FAF]  }
0x31: {  	[smem:$0x3FB8] =	sst s10  }
0x32: {  	s10 =	sld [smem:$0x3FB6];
	_ =	sdelay $0x3  }
0x33: {  	p0 =	seq.s32 s10, $0x1;
	s10 =	sld [smem:$0x3FB8];
	_ =	sdelay $0x3  }
0x34: {  	[smem:$0x3FB8] =	sst s10  }
0x35: {  	s10 =	sld [smem:$0x3FB7];
	_ =	sdelay $0x3  }
0x36: {  	p1 =	seq.s32 s10, $0x1;
	s10 =	sld [smem:$0x3FB8];
	_ =	sdelay $0x3  }
0x37: {  	[smem:$0x3FB8] =	sst s10  }
0x38: {  	s10 =	sld [smem:$0x3FB9]  }
0x39: {  	_ = 	snop;
	(pc) =	sbr.ind lr, $3  }
0x3a: {  	_ = 	snop  }
0x3b: {  	_ = 	snop  }
0x3c: {  	p2 =	seq.s32 s10, $0x1;
	s10 =	sld [smem:$0x3FB8]  }
0x3d: {  	_ =	shalt  }
0x3e: {  	_ =	shalt  }
0x3f: {  	_ =	shalt  }
0x40: {  	_ =	shalt  }
0x41: {  	_ =	shalt  }
0x42: {  	_ =	shalt  }
0x43: {  	_ =	shalt  }
0x44: {  	_ =	shalt  }
0x45: {  	_ =	shalt  }
0x46: {  	_ =	shalt  }
0x47: {  	_ =	shalt  }
0x48: {  	_ =	shalt  }
0x49: {  	_ =	shalt  }
0x4a: {  	_ =	shalt  }
0x4b: {  	_ =	shalt  }
0x4c: {  	_ =	shalt  }
0x4d: {  	_ =	shalt  }
0x4e: {  	_ =	shalt  }
0x4f: {  	_ =	shalt  }
0x50: {  	_ =	shalt  }
0x51: {  	_ =	shalt  }
0x52: {  	_ =	shalt  }
0x53: {  	_ =	shalt  }
0x54: {  	_ =	shalt  }
0x55: {  	_ =	shalt  }
0x56: {  	_ =	shalt  }
0x57: {  	_ =	shalt  }
0x58: {  	_ =	shalt  }
0x59: {  	_ =	shalt  }
0x5a: {  	_ =	shalt  }
0x5b: {  	_ =	shalt  }
0x5c: {  	_ =	shalt  }
0x5d: {  	_ =	shalt  }
0x5e: {  	_ =	shalt  }
0x5f: {  	_ =	shalt  }
0x60: {  	_ =	shalt  }
0x61: {  	_ =	shalt  }
0x62: {  	_ =	shalt  }
0x63: {  	_ =	shalt  }
0x64: {  	_ =	shalt  }
0x65: {  	_ =	shalt  }
0x66: {  	_ =	shalt  }
0x67: {  	_ =	shalt  }
0x68: {  	_ =	shalt  }
0x69: {  	_ =	shalt  }
0x6a: {  	_ =	shalt  }
0x6b: {  	_ =	shalt  }
0x6c: {  	_ =	shalt  }
0x6d: {  	_ =	shalt  }
0x6e: {  	_ =	shalt  }
0x6f: {  	_ =	shalt  }
0x70: {  	_ =	shalt  }
0x71: {  	_ =	shalt  }
0x72: {  	_ =	shalt  }
0x73: {  	_ =	shalt  }
0x74: {  	_ =	shalt  }
0x75: {  	_ =	shalt  }
0x76: {  	_ =	shalt  }
0x77: {  	_ =	shalt  }
0x78: {  	_ =	shalt  }
0x79: {  	_ =	shalt  }
0x7a: {  	_ =	shalt  }
0x7b: {  	_ =	shalt  }
0x7c: {  	_ =	shalt  }
0x7d: {  	_ =	shalt  }
0x7e: {  	_ =	shalt  }
0x7f: {  	_ =	shalt  }
0x80: {  	_ =	shalt  }
0x81: {  	_ =	shalt  }
0x82: {  	_ =	shalt  }
0x83: {  	_ =	shalt  }
0x84: {  	_ =	shalt  }
0x85: {  	_ =	shalt  }
0x86: {  	_ =	shalt  }
0x87: {  	_ =	shalt  }
.Lfunc_end0:
.L_simem_size_0:
called_computation_lowered:
.L_overlay_start_0:
0x88: {  	s2 =	sld [smem:$0x3FD9]  }
0x89: {  	s3 =	sld [smem:$0x3FFE];
	_ =	sdelay $0x1  }
0x8a: {  	s1 =	srdreg.scid  }
0x8b: {  	s0 =	sand.u32 $0x1, s1  }
0x8c: {  	s17 =	sshll.u32 s0, $0xA;
	s2 =	sadd.s32 s3, s2  }
0x8d: {  	s2 =	sadd.s32 s2, s17  }
0x8e: {  	[smem:$0x3FC4] =	sst s2  }
0x8f: {  	_ = 	snop  }
0x90: {  	s2 =	sld [smem:$0x3FD0];
	(tm) =	ssettm $0x1  }
0x91: {  	s18 =	sld [smem:$0x3FFB];
	_ =	sdelay $0x3  }
0x92: {  	_ =	strace s18  }
0x93: {  	s3 =	sld [smem:$0x3FFC];
	_ =	sdelay $0x3  }
0x94: {  	_ =	strace s3  }
0x95: {  	s3 =	sld [smem:$0x3FFD];
	_ =	sdelay $0x3  }
0x96: {  	_ =	strace s3  }
0x97: {  	_ =	strace $0x8FFFFFFF  }
0x98: {  	s19 =	sld [smem:$0x3FDB];
	_ =	sdelay $0x1  }
0x99: {  	s4 =	simm.s32 $_scs_section_size  }
0x9a: {  	s5 =	simm.s32 $_size__tile_overlayer_lowered;
	s6 =	simm.s32 $_tile_overlayer_lowered  }
0x9b: {  	s22 =	simm.s32 $0x1BFF;
	s21 =	sshll.u32 s6, $0x1;
	s3 =	sadd.s32 s4, s19  }
0x9c: {  	s7 =	simm.s32 $0x0;
	s20 =	sshll.u32 s5, $0x1;
	s5 =	sadd.s32 s21, s3  }
0x9d: {  	[timem:s7], [sflag:s22] =	dma.local [hbm:s5], s20  }
0x9e: {  	_ =	swait.ge [sflag:s22], s20  }
0x9f: {  	s4 =	ssub.s32 $0x0, s20;
	[sflag:s22] =	ssyncset.done $0x0  }
0xa0: {  	[sflag:s22] =	ssyncadd.s32 s4;
	_ =	sdelay $0x1  }
0xa1: {  	s23 =	simm.s32 $0x1B8B  }
0xa2: {  	_ =	swait.ge [sflag:s23], $0x1  }
0xa3: {  	[sflag:s23] =	ssyncset.done $0x0  }
0xa4: {  	s25 =	simm.s32 $0x1B8E;
	s24 =	sld [smem:$0x3FFE];
	[sflag:s23] =	ssyncadd.s32 $0xFFFFFFFF  }
0xa5: {  	s26 =	simm.s32 $execute0_lowered;
	[smem:$0x3FD2] =	sst s25  }
0xa6: {  	s5 =	sshll.u32 s26, $0x1;
	_ =	strace $0x80000046;
	[dreg:$0x1] =	wrdreg $0xFFFFFFFF  }
0xa7: {  	s28 =	simm.s32 $_size_execute0_lowered;
	s3 =	sadd.s32 s3, s5;
	[dreg:$0x0] =	wrdreg $0x0  }
0xa8: {  	s5 =	sshll.u32 s28, $0x1;
	[dreg:$0x2] =	wrdreg s3  }
0xa9: {  	[dreg:$0x3] =	wrdreg s5  }
0xaa: {  	[dreg:$0x4] =	wrdreg $0xC0  }
0xab: {  	_ =	task [dreg:s7], $0x5FFFF  }
0xac: {  	[dreg:$0x1] =	wrdreg $0xFFFFFFFF  }
0xad: {  	[dreg:$0x0] =	wrdreg $0x60  }
0xae: {  	[dreg:$0x2] =	wrdreg s24  }
0xaf: {  	[dreg:$0x3] =	wrdreg s2  }
0xb0: {  	[dreg:$0x4] =	wrdreg $0x9  }
0xb1: {  	_ =	task.clear_ibuf [dreg:s7], $0x5FFFF;
	_ =	strace $0x90000046  }
0xb2: {  	s29 =	simm.s32 $0x9;
	_ =	strace $0x80000048  }
0xb3: {  	_ =	swait.ge [sflag:s29], $0x1  }
0xb4: {  	[sflag:s29] =	ssyncadd.s32 $0xFFFFFFFF  }
0xb5: {  	_ =	strace $0x90000048  }
0xb6: {  	_ =	sfence  }
0xb7: {  	s30 =	sld [smem:$0x0];
	_ =	sdelay $0x2  }
0xb8: {  	s31 =	sshll.u32 s1, $0xD;
	s1 =	sshrl.u32 s1, $0x2  }
0xb9: {  	s3 =	sand.u32 $0x4000, s31;
	s1 =	sadd.s32 s1, s30  }
0xba: {  	s0 =	sor.u32 s3, s0;
	s1 =	sshll.u32 s1, $0x11  }
0xbb: {  	s0 =	sor.u32 s1, s0  }
0xbc: {  	s0 =	sadd.s32 $0x8F2B, s0  }
0xbd: {  	[sflag:s0] =	ssyncadd.remote.s32 $0x1  }
0xbe: {  	_ =	sfence.sel $0xFFFF  }
0xbf: {  	[dreg:$0x0] =	wrdreg $0xFFFFFFFF;
	(pc) =	sbr.abs _section_cstart, $3  }
0xc0: {  	[dreg:$0x1] =	wrdreg $0xFFFFFFFF  }
0xc1: {  	_ =	task.clear_ibuf [dreg:s7], $0x2FFFF;
	_ =	strace $0x9FFFFFFF  }
0xc2: {  	(tm) =	ssettm $0x7FFFFFFF  }
0xc3: {  	_ =	shalt  }
tec
execute0_lowered:
.L_overlay_start_1:
0x0: {  	(tag) =	ssettag $0x1  }
0x1: {  	s4 =	rddreg [dreg:$0x0];
	s1 =	srdreg.scid  }
0x2: {  	s0 =	stileid.u32;
	s9 =	rddreg [dreg:$0x1]  }
0x3: {  	s13 =	simm.s32 $0x1;
	s14 =	simm.s32 $0x200;
	s15 =	simm.s32 $0x600  }
0x4: {  	s16 =	simm.s32 $0x800;
	s17 =	simm.s32 $0xA00;
	s18 =	simm.s32 $0xA80  }
0x5: {  	s19 =	simm.s32 $0x0;
	s3 =	sand.u32 $0x1, s1;
	s2 =	sshll.u32 s0, $0x1  }
0x6: {  	s1 =	rddreg [dreg:$0x2];
	s5 =	sshll.u32 s0, $0x7;
	s8 =	sor.u32 s3, s2  }
0x7: {  	s2 =	simm.s32 $0x0;
	s30 =	ssub.s32 $0x2, s3;
	s3 =	sadd.s32 $0xE00, s4  }
0x8: {  	s6 =	sshll.u32 s8, $0x4;
	[smem:$0x7FF] =	sst s2;
	s31 =	sshrl.u32 s30, $0x1  }
0x9: {  	s12 =	sshll.u32 s8, $0xC;
	s5 =	sor.u32 s5, s6;
	_ =	strace $0x80000047  }
0xa: {  	s11 =	ssub.s32 s30, s31;
	s9 =	sadd.s32 s9, s12;
	s5 =	sand.u32 $0x670, s5  }
0xb: {  	s12 =	simm.s32 $0x400;
	s10 =	sadd.s32 s5, s4;
	s4 =	sadd.s32 $0xC00, s4  }
0xc: {  	s5 =	sadd.s32 $0x2800, s10;
	s6 =	sadd.s32 $0x2000, s10;
	s7 =	sadd.s32 $0x1800, s10  }
0xd: {  	v0 =	vlaneseq.u32;
	vm0 =	vmmov $0xff;
	s8 =	sadd.s32 $0x1000, s10;
	s10 =	smax.u32 s11, $0x1;
	s11 =	simm.s32 $0x80  }
.LBB2_1:
0xe: {  	[tilespmem:s2], [sflag:$0x1] =	stream.strided.gather [hbm4b:s5+s11], $0x200, s12, s11, $0x38;
	[tilespmem:$0x8A80] =	vst v63  }
0xf: {  	_ =	swait.ge [sflag:s13], $0x200  }
0x10: {  	[sflag:s13] =	ssyncset.done $0x0  }
0x11: {  	[sflag:s13] =	ssyncadd.s32 $0xFFFFFE00  }
0x12: {  	[tilespmem:s14], [sflag:$0x1] =	stream.strided.gather [hbm4b:s6+s11], $0x200, s12, s11, $0x38;
	[tilespmem:$0x8A80] =	vst v63  }
0x13: {  	_ =	swait.ge [sflag:s13], $0x200  }
0x14: {  	[sflag:s13] =	ssyncset.done $0x0  }
0x15: {  	[sflag:s13] =	ssyncadd.s32 $0xFFFFFE00  }
0x16: {  	[tilespmem:s12], [sflag:$0x1] =	stream.strided.gather [hbm4b:s7+s11], $0x200, s12, s11, $0x38;
	[tilespmem:$0x8A80] =	vst v63  }
0x17: {  	_ =	swait.ge [sflag:s13], $0x200  }
0x18: {  	[sflag:s13] =	ssyncset.done $0x0  }
0x19: {  	[sflag:s13] =	ssyncadd.s32 $0xFFFFFE00  }
0x1a: {  	[tilespmem:s15], [sflag:$0x1] =	stream.strided.gather [hbm4b:s8+s11], $0x200, s12, s11, $0x38;
	[tilespmem:$0x8A80] =	vst v63  }
0x1b: {  	_ =	swait.ge [sflag:s13], $0x200  }
0x1c: {  	[sflag:s13] =	ssyncset.done $0x0  }
0x1d: {  	[sflag:s13] =	ssyncadd.s32 $0xFFFFFE00  }
0x1e: {  	[tilespmem:s16], [sflag:$0x1] =	stream.linear.gather [hbm4b:s3+s2], $0x200, $0x38;
	[tilespmem:$0x8A80] =	vst v63  }
0x1f: {  	_ =	swait.ge [sflag:s13], $0x200  }
0x20: {  	[sflag:s13] =	ssyncset.done $0x0  }
0x21: {  	[sflag:s13] =	ssyncadd.s32 $0xFFFFFE00  }
0x22: {  	[tilespmem:s17], [sflag:$0x1] =	stream.linear.gather [hbm4b:s4+s2], $0x80, $0x38;
	[tilespmem:$0x8A80] =	vst v63  }
0x23: {  	_ =	swait.ge [sflag:s13], $0x80  }
0x24: {  	[sflag:s13] =	ssyncset.done $0x0  }
0x25: {  	s22 =	simm.s32 $0x20;
	[sflag:s13] =	ssyncadd.s32 $0xFFFFFF80  }
0x26: {  	s23 =	simm.s32 $0x420;
	v1 =	vld [tilespmem:s22+$0xFFFFFFE0]  }
0x27: {  	v2 =	vld [tilespmem:s23+$0xFFFFFFE0];
	_ =	sdelay $0x4  }
0x28: {  	v1 =	vsub.f32 v1, v2;
	_ =	sdelay $0x1  }
0x29: {  	s20 =	simm.s32 $0x620;
	[tilespmem:s23+$0xFFFFFFE0] =	vst v1  }
0x2a: {  	s21 =	simm.s32 $0x220;
	v1 =	vld [tilespmem:s20+$0xFFFFFFE0]  }
0x2b: {  	v2 =	vld [tilespmem:s21+$0xFFFFFFE0];
	_ =	sdelay $0x4  }
0x2c: {  	v1 =	vsub.f32 v2, v1;
	_ =	sdelay $0x1  }
0x2d: {  	[tilespmem:s20+$0xFFFFFFE0] =	vst v1  }
0x2e: {  	v1 =	vld [tilespmem:s22+$0xFFFFFFF0]  }
0x2f: {  	v2 =	vld [tilespmem:s23+$0xFFFFFFF0];
	_ =	sdelay $0x4  }
0x30: {  	v1 =	vsub.f32 v1, v2;
	_ =	sdelay $0x1  }
0x31: {  	[tilespmem:s23+$0xFFFFFFF0] =	vst v1  }
0x32: {  	v1 =	vld [tilespmem:s21+$0xFFFFFFF0]  }
0x33: {  	v2 =	vld [tilespmem:s20+$0xFFFFFFF0];
	_ =	sdelay $0x4  }
0x34: {  	v1 =	vsub.f32 v1, v2;
	_ =	sdelay $0x1  }
0x35: {  	[tilespmem:s20+$0xFFFFFFF0] =	vst v1  }
0x36: {  	v1 =	vld [tilespmem:s22+$0x0]  }
0x37: {  	v2 =	vld [tilespmem:s23+$0x0];
	_ =	sdelay $0x4  }
0x38: {  	v1 =	vsub.f32 v1, v2;
	_ =	sdelay $0x1  }
0x39: {  	[tilespmem:s23+$0x0] =	vst v1  }
0x3a: {  	v1 =	vld [tilespmem:s21+$0x0]  }
0x3b: {  	v2 =	vld [tilespmem:s20+$0x0];
	_ =	sdelay $0x4  }
0x3c: {  	v1 =	vsub.f32 v1, v2;
	_ =	sdelay $0x1  }
0x3d: {  	[tilespmem:s20+$0x0] =	vst v1  }
0x3e: {  	v1 =	vld [tilespmem:s22+$0x10]  }
0x3f: {  	v2 =	vld [tilespmem:s23+$0x10];
	_ =	sdelay $0x4  }
0x40: {  	v1 =	vsub.f32 v1, v2;
	_ =	sdelay $0x1  }
0x41: {  	s24 =	simm.s32 $0x60;
	[tilespmem:s23+$0x10] =	vst v1  }
0x42: {  	s25 =	simm.s32 $0x620;
	s22 =	simm.s32 $0x0;
	s23 =	simm.s32 $0x460;
	v1 =	vld [tilespmem:s21+$0x10]  }
.LBB2_2:
0x43: {  	s22 =	sadd.s32 $0x4, s22;
	v2 =	vld [tilespmem:s20+$0x10];
	s25 =	sadd.s32 $0x40, s25;
	s21 =	sadd.s32 $0x40, s21  }
0x44: {  	p0 =	slt.u32 s22, $0x1C;
	_ =	sdelay $0x3  }
0x45: {  	v1 =	vsub.f32 v1, v2;
	_ =	sdelay $0x1  }
0x46: {  	[tilespmem:s20+$0x10] =	vst v1;
	s20 =	smov.u32 s25  }
0x47: {  	v1 =	vld [tilespmem:s24+$0xFFFFFFE0]  }
0x48: {  	v2 =	vld [tilespmem:s23+$0xFFFFFFE0];
	_ =	sdelay $0x4  }
0x49: {  	v1 =	vsub.f32 v1, v2;
	_ =	sdelay $0x1  }
0x4a: {  	[tilespmem:s23+$0xFFFFFFE0] =	vst v1  }
0x4b: {  	v1 =	vld [tilespmem:s25+$0xFFFFFFE0]  }
0x4c: {  	v2 =	vld [tilespmem:s21+$0xFFFFFFE0];
	_ =	sdelay $0x4  }
0x4d: {  	v1 =	vsub.f32 v2, v1;
	_ =	sdelay $0x1  }
0x4e: {  	[tilespmem:s25+$0xFFFFFFE0] =	vst v1  }
0x4f: {  	v1 =	vld [tilespmem:s24+$0xFFFFFFF0]  }
0x50: {  	v2 =	vld [tilespmem:s23+$0xFFFFFFF0];
	_ =	sdelay $0x4  }
0x51: {  	v1 =	vsub.f32 v1, v2;
	_ =	sdelay $0x1  }
0x52: {  	[tilespmem:s23+$0xFFFFFFF0] =	vst v1  }
0x53: {  	v1 =	vld [tilespmem:s21+$0xFFFFFFF0]  }
0x54: {  	v2 =	vld [tilespmem:s25+$0xFFFFFFF0];
	_ =	sdelay $0x4  }
0x55: {  	v1 =	vsub.f32 v1, v2;
	_ =	sdelay $0x1  }
0x56: {  	[tilespmem:s25+$0xFFFFFFF0] =	vst v1  }
0x57: {  	v1 =	vld [tilespmem:s24+$0x0]  }
0x58: {  	v2 =	vld [tilespmem:s23+$0x0];
	_ =	sdelay $0x4  }
0x59: {  	v1 =	vsub.f32 v1, v2;
	_ =	sdelay $0x1  }
0x5a: {  	[tilespmem:s23+$0x0] =	vst v1  }
0x5b: {  	v1 =	vld [tilespmem:s21+$0x0]  }
0x5c: {  	v2 =	vld [tilespmem:s25+$0x0];
	_ =	sdelay $0x4  }
0x5d: {  	v1 =	vsub.f32 v1, v2;
	_ =	sdelay $0x1  }
0x5e: {  	[tilespmem:s25+$0x0] =	vst v1  }
0x5f: {  	v1 =	vld [tilespmem:s24+$0x10]  }
0x60: {  	v2 =	vld [tilespmem:s23+$0x10];
	_ =	sdelay $0x3  }
.Ltmp0:
0x61: {  	(pc) =	sbr.rel @p0 .LBB2_2-.Ltmp0, $3  }
0x62: {  	v1 =	vsub.f32 v1, v2;
	_ =	sdelay $0x1  }
0x63: {  	[tilespmem:s23+$0x10] =	vst v1  }
0x64: {  	s24 =	sadd.s32 $0x40, s24;
	s23 =	sadd.s32 $0x40, s23;
	v1 =	vld [tilespmem:s21+$0x10]  }
0x65: {  	v2 =	vld [tilespmem:s20+$0x10];
	_ =	sdelay $0x4  }
0x66: {  	v1 =	vsub.f32 v1, v2;
	_ =	sdelay $0x1  }
0x67: {  	[tilespmem:s20+$0x10] =	vst v1  }
0x68: {  	v1 =	vld [tilespmem:$0x800]  }
0x69: {  	v2 =	vld [tilespmem:$0x880]  }
0x6a: {  	v3 =	vld [tilespmem:$0x900]  }
0x6b: {  	v4 =	vld [tilespmem:$0x980]  }
0x6c: {  	s20 =	simm.s32 $0x0;
	v5 =	vld [tilespmem:$0xA00]  }
.LBB2_4:
0x6d: {  	s21 =	sshll.u32 s20, $0x2  }
0x6e: {  	s23 =	sor.u32 $0x1, s21;
	v6 =	vmov s21;
	s22 =	sor.u32 $0x2, s21;
	s21 =	sshllo.u32 s20, $0x2  }
0x6f: {  	s26 =	simm.s32 $0x220;
	v17 =	vbroadcast v6, $0x0;
	v8 =	vmov s21  }
0x70: {  	s24 =	simm.s32 $0x20;
	v19 =	vld [tilespmem:s26+$0xFFFFFFF0]  }
0x71: {  	v21 =	vld [tilespmem:s24+$0xFFFFFFF0]  }
0x72: {  	v20 =	vld [tilespmem:s26+$0xFFFFFFE0];
	v6 =	vmov s22  }
0x73: {  	v23 =	vld [tilespmem:s24+$0xFFFFFFE0];
	v7 =	vmov s23;
	v11 =	vbroadcast v6, $0x0  }
0x74: {  	v14 =	vbroadcast v7, $0x0;
	v6 =	vld.idx.msk [tilespmem:v8+s14+$0x0], $0xffff  }
0x75: {  	v16 =	vld.idx.msk [tilespmem:v17+s2+$0x0], $0xffff  }
0x76: {  	v15 =	vld.idx.msk [tilespmem:v17+s14+$0x0], $0xffff  }
0x77: {  	v7 =	vld.idx.msk [tilespmem:v8+s2+$0x0], $0xffff;
	_ =	sdelay $0x1  }
0x78: {  	v26 =	vimm.f32 $3.000000010e+38;
	s25 =	simm.s32 $0x10;
	v31 =	vimm.s32 $0x0;
	s31 =	simm.s32 $0x0;
	v9 =	vld.idx.msk [tilespmem:v11+s14+$0x0], $0xffff  }
0x79: {  	v18 =	vor.u32 s25, v0;
	v37 =	vor.u32 s31, v0;
	v13 =	vld.idx.msk [tilespmem:v14+s14+$0x0], $0xffff;
	v24 =	vsub.f32 v19, v6  }
0x7a: {  	v25 =	vsel vm0, v31, v18;
	v12 =	vld.idx.msk [tilespmem:v14+s2+$0x0], $0xffff;
	v22 =	vsub.f32 v19, v15;
	v27 =	vsub.f32 v21, v16  }
0x7b: {  	v28 =	vsel vm0, v18, v31;
	v10 =	vld.idx.msk [tilespmem:v11+s2+$0x0], $0xffff;
	v34 =	vsub.f32 v23, v7;
	v57 =	vsub.f32 v20, v6  }
0x7c: {  	v30 =	vsub.f32 v20, v15;
	v27 =	vmul.f32 v27, v27;
	v33 =	vmul.f32 v22, v22  }
0x7d: {  	v39 =	vsel vm0, v37, v31;
	v32 =	vsub.f32 v23, v16;
	v29 =	vsub.f32 v19, v9  }
0x7e: {  	v40 =	vsel vm0, v31, v37;
	v19 =	vsub.f32 v19, v13;
	v27 =	vadd.f32 v33, v27  }
0x7f: {  	v56 =	vsub.f32 v21, v12;
	v35 =	vsub.f32 v20, v13;
	v34 =	vmul.f32 v34, v34  }
0x80: {  	v38 =	vsub.f32 v21, v10;
	v20 =	vsub.f32 v20, v9;
	v36 =	vsel vm0, v26, v27  }
0x81: {  	v19 =	vmul.f32 v19, v19;
	v33 =	vmul.f32 v56, v56;
	(xrf1) =	vsort.ascd.msk.f32 $0xffff, v36, v25  }
0x82: {  	v21 =	vsub.f32 v21, v7;
	v22 =	vmul.f32 v24, v24;
	v24 =	vsub.f32 v23, v12  }
0x83: {  	v32 =	vmul.f32 v32, v32;
	v30 =	vmul.f32 v30, v30;
	v19 =	vadd.f32 v19, v33  }
0x84: {  	v23 =	vsub.f32 v23, v10;
	v58 =	vmul.f32 v35, v35;
	v59 =	vmul.f32 v38, v38  }
0x85: {  	v60 =	vmul.f32 v20, v20;
	v36 =	vmul.f32 v57, v57;
	v61 =	vsel vm0, v26, v19  }
0x86: {  	v29 =	vmul.f32 v29, v29;
	v46 =	vmul.f32 v21, v21;
	(xrf1) =	vsort.ascd.msk.f32 $0xffff, v61, v25  }
0x87: {  	v24 =	vmul.f32 v24, v24;
	v30 =	vadd.f32 v30, v32;
	v20 =	vadd.f32 v36, v34  }
0x88: {  	v23 =	vmul.f32 v23, v23;
	v29 =	vadd.f32 v29, v59;
	v63 =	vsel vm0, v19, v26  }
0x89: {  	v32 =	vadd.f32 v58, v24;
	v19 =	vld [tilespmem:s26+$0x10];
	(xrf1) =	vsort.dscd.msk.f32 $0xffff, v63, v28;
	v62 =	vsel vm0, v20, v26  }
0x8a: {  	v27 =	vsel vm0, v27, v26;
	v36 =	vsel vm0, v26, v20;
	v20 =	vld [tilespmem:s24+$0x10];
	(xrf1) =	vsort.dscd.msk.f32 $0xffff, v62, v39  }
0x8b: {  	v42 =	vimm.f32 $3.000000010e+38;
	v21 =	vld [tilespmem:s24+$0x0];
	v24 =	vsel vm0, v30, v26;
	v35 =	vadd.f32 v60, v23;
	(xrf1) =	vsort.dscd.msk.f32 $0xffff, v27, v28  }
0x8c: {  	v37 =	vsel vm0, v26, v30;
	v41 =	vsel vm0, v29, v26;
	v33 =	vsel vm0, v26, v29  }
0x8d: {  	v38 =	vmovc v40;
	v29 =	vimm.s32 $0x0;
	v43 =	vsel vm0, v32, v26;
	v32 =	vsel vm0, v26, v32  }
0x8e: {  	s28 =	simm.s32 $0x260;
	v23 =	vmovc v39;
	v34 =	vimm.f32 $3.000000010e+38;
	v44 =	vsub.f32 v19, v9;
	v45 =	vsub.f32 v19, v13;
	(xrf1) =	vsort.ascd.msk.f32 $0xffff, v36, v40  }
0x8f: {  	s29 =	simm.s32 $0x20;
	s25 =	simm.s32 $0x0;
	v27 =	vld [tilespmem:s26+$0x0];
	s26 =	simm.s32 $0x60;
	v36 =	vmov v39;
	(xrf1) =	vsort.ascd.msk.f32 $0xffff, v32, v40;
	v32 =	vimm.f32 $3.000000010e+38;
	v47 =	vsub.f32 v20, v12;
	v30, v48, _ =	vpop (xrf1)  }
.LBB2_5:
0x90: {  	v31 =	vsel vm0, v18, v31;
	v49 =	vsub.f32 v21, v12;
	v50 =	vsub.f32 v20, v10  }
0x91: {  	s25 =	sadd.s32 $0x2, s25;
	s30 =	sadd.s32 $0x10, s24;
	s29 =	sadd.s32 $0x40, s29;
	v46 =	vadd.f32 v22, v46;
	v47 =	vmul.f32 v47, v47;
	v53 =	vsub.f32 v20, v16  }
0x92: {  	v54 =	vsub.f32 v19, v15;
	v58 =	vsel vm0, v32, v35;
	p0 =	slt.u32 s25, $0xE;
	v22 =	vor.u32 s30, v0;
	(xrf1) =	vsort.dscd.msk.f32 $0xffff, v43, v39  }
0x93: {  	v39 =	vsub.f32 v21, v7;
	v43 =	vsel vm0, v48, v22;
	v48 =	vmul.f32 v50, v50  }
0x94: {  	v26 =	vsel vm0, v46, v26;
	v42 =	vsel vm0, v42, v46;
	v46 =	vsub.f32 v27, v6;
	v50, v51, _ =	vpop (xrf1)  }
0x95: {  	v44 =	vmul.f32 v44, v44;
	v52 =	vsub.f32 v27, v13;
	v49 =	vmul.f32 v49, v49  }
0x96: {  	v34 =	vsel vm0, v35, v34;
	v45 =	vmul.f32 v45, v45;
	v46 =	vmul.f32 v46, v46  }
0x97: {  	v20 =	vsub.f32 v20, v7;
	v53 =	vmul.f32 v53, v53;
	v52 =	vmul.f32 v52, v52;
	v55, v56, _ =	vpop (xrf1)  }
0x98: {  	v18 =	vsel vm0, v29, v18;
	v45 =	vadd.f32 v45, v47;
	v47, v57, _ =	vpop (xrf1);
	(xrf1) =	vsort.dscd.msk.f32 $0xffff, v26, v31  }
0x99: {  	v26 =	vadd.f32 v52, v49;
	v31 =	vmul.f32 v39, v39;
	(xrf1) =	vsort.ascd.msk.f32 $0xffff, v58, v40;
	v32, v39, _ =	vpop (xrf1)  }
0x9a: {  	v44 =	vadd.f32 v44, v48;
	v40 =	vsel vm0, v50, v45;
	(xrf1) =	vsort.dscd.msk.f32 $0xffff, v41, v28  }
0x9b: {  	v28 =	vsub.f32 v27, v9;
	v31 =	vadd.f32 v46, v31;
	v39 =	vsel vm0, v22, v39  }
0x9c: {  	v19 =	vsub.f32 v19, v6;
	v35 =	vsel vm0, v45, v55;
	(xrf1) =	vsort.dscd.msk.f32 $0xffff, v24, v36;
	v24, v36, _ =	vpop (xrf1)  }
0x9d: {  	v29 =	vmul.f32 v54, v54;
	v41 =	vsel vm0, v31, v47;
	(xrf1) =	vsort.ascd.msk.f32 $0xffff, v37, v38  }
0x9e: {  	v20 =	vmul.f32 v20, v20;
	v19 =	vmul.f32 v19, v19;
	v37, v38, _ =	vpop (xrf1);
	(xrf1) =	vsort.ascd.msk.f32 $0xffff, v33, v25  }
0x9f: {  	v25 =	vsel vm0, v51, v22;
	(xrf1) =	vsort.ascd.msk.f32 $0xffff, v42, v18  }
0xa0: {  	v19 =	vadd.f32 v19, v20;
	v18 =	vadd.f32 v29, v53;
	v29 =	vsel vm0, v22, v56;
	v33, v42, _ =	vpop (xrf1)  }
0xa1: {  	v45 =	vsub.f32 v21, v10;
	v21 =	vsub.f32 v21, v16;
	(xrf1) =	vsort.dscd.msk.f32 $0xffff, v35, v29  }
0xa2: {  	v29 =	vsel vm0, v18, v32;
	v18 =	vsel vm0, v30, v18;
	(xrf1) =	vsort.ascd.msk.f32 $0xffff, v40, v25  }
0xa3: {  	v27 =	vsub.f32 v27, v15;
	v21 =	vmul.f32 v21, v21;
	v25 =	vor.u32 s24, v0;
	s24 =	smov.u32 s29;
	(xrf1) =	vsort.ascd.msk.f32 $0xffff, v18, v43  }
0xa4: {  	v18 =	vmul.f32 v45, v45;
	v20 =	vsel vm0, v25, v57;
	(xrf1) =	vsort.dscd.msk.f32 $0xffff, v29, v39  }
0xa5: {  	v29 =	vsel vm0, v25, v42;
	(xrf1) =	vsort.dscd.msk.f32 $0xffff, v34, v23;
	v34 =	vmul.f32 v28, v28  }
0xa6: {  	v27 =	vmul.f32 v27, v27;
	v24 =	vsel vm0, v24, v31;
	v23 =	vsel vm0, v26, v33;
	v30, v31, _ =	vpop (xrf1)  }
0xa7: {  	v32, v33, _ =	vpop (xrf1);
	(xrf1) =	vsort.dscd.msk.f32 $0xffff, v23, v29;
	v23 =	vsel vm0, v37, v26;
	v26 =	vadd.f32 v34, v18  }
0xa8: {  	v21 =	vadd.f32 v27, v21;
	v18, v28, _ =	vpop (xrf1);
	(xrf1) =	vsort.dscd.msk.f32 $0xffff, v41, v20;
	v20 =	vsel vm0, v33, v25  }
0xa9: {  	v18 =	vsel vm0, v44, v18;
	v28 =	vsel vm0, v22, v28;
	v27 =	vsel vm0, v32, v26  }
0xaa: {  	v29, v32, _ =	vpop (xrf1);
	(xrf1) =	vsort.dscd.msk.f32 $0xffff, v18, v28;
	v28 =	vsel vm0, v36, v25  }
0xab: {  	v18 =	vsel vm0, v25, v32;
	v32, v33, _ =	vpop (xrf1);
	(xrf1) =	vsort.ascd.msk.f32 $0xffff, v27, v20  }
0xac: {  	v20 =	vsel vm0, v21, v29;
	v21 =	vsel vm0, v32, v21;
	v27, v29, _ =	vpop (xrf1);
	(xrf1) =	vsort.ascd.msk.f32 $0xffff, v24, v28  }
0xad: {  	v24 =	vsel vm0, v27, v44;
	v27 =	vsel vm0, v29, v22;
	v28, v29, _ =	vpop (xrf1);
	(xrf1) =	vsort.dscd.msk.f32 $0xffff, v20, v18  }
0xae: {  	v18 =	vsel vm0, v33, v25;
	v20 =	vld [tilespmem:s28+$0xFFFFFFF0];
	(xrf1) =	vsort.ascd.msk.f32 $0xffff, v24, v27  }
0xaf: {  	v35 =	vsel vm0, v38, v25;
	v30 =	vsel vm0, v19, v30;
	v31 =	vsel vm0, v22, v31;
	v27 =	vld [tilespmem:s26+$0xFFFFFFF0];
	v33, v32, _ =	vpop (xrf1)  }
0xb0: {  	s30 =	sadd.s32 $0xFFFFFFF0, s29;
	v19 =	vsel vm0, v28, v19;
	v22 =	vsel vm0, v29, v22;
	v34 =	vld [tilespmem:s28+$0xFFFFFFE0];
	(xrf1) =	vsort.ascd.msk.f32 $0xffff, v21, v18;
	v21, v28, _ =	vpop (xrf1)  }
0xb1: {  	v18 =	vor.u32 s30, v0;
	v29 =	vld [tilespmem:s26+$0xFFFFFFE0];
	(xrf1) =	vsort.ascd.msk.f32 $0xffff, v23, v35;
	v23, v24, _ =	vpop (xrf1)  }
0xb2: {  	v35 =	vsel vm0, v18, v32;
	v24 =	vsel vm0, v24, v18;
	v37, v38, _ =	vpop (xrf1);
	(xrf1) =	vsort.dscd.msk.f32 $0xffff, v30, v31  }
0xb3: {  	v30 =	vsub.f32 v20, v15;
	v31 =	vsub.f32 v20, v6;
	v32, v36, _ =	vpop (xrf1);
	(xrf1) =	vsort.ascd.msk.f32 $0xffff, v19, v22  }
0xb4: {  	v39 =	vsub.f32 v20, v9;
	v19 =	vsub.f32 v27, v16;
	v42 =	vsel vm0, v25, v36  }
0xb5: {  	v32 =	vsel vm0, v26, v32;
	v36 =	vsub.f32 v34, v15;
	v22 =	vmul.f32 v31, v31;
	v40, v41, _ =	vpop (xrf1)  }
0xb6: {  	v31 =	vsub.f32 v29, v16;
	v19 =	vmul.f32 v19, v19;
	(xrf1) =	vsort.dscd.msk.f32 $0xffff, v32, v42;
	v25, v26, _ =	vpop (xrf1)  }
0xb7: {  	v20 =	vsub.f32 v20, v13;
	v30 =	vmul.f32 v30, v30;
	v48 =	vsub.f32 v29, v12  }
0xb8: {  	s30 =	sadd.s32 $0xFFFFFFE0, s29;
	v43 =	vsub.f32 v27, v12;
	v42 =	vsub.f32 v29, v7;
	v31 =	vmul.f32 v31, v31;
	v44, v45, _ =	vpop (xrf1)  }
0xb9: {  	v46 =	vmul.f32 v48, v48;
	v30 =	vadd.f32 v30, v19;
	v19 =	vmul.f32 v20, v20;
	v32, v47, _ =	vpop (xrf1)  }
0xba: {  	v48 =	vor.u32 s30, v0;
	v20 =	vsub.f32 v34, v13;
	v42 =	vmul.f32 v42, v42;
	v49, v50, _ =	vpop (xrf1)  }
0xbb: {  	v51 =	vsub.f32 v29, v10;
	v29 =	vsub.f32 v34, v6;
	v36 =	vmul.f32 v36, v36;
	v52, v53, _ =	vpop (xrf1)  }
0xbc: {  	v28 =	vsel vm0, v28, v18;
	v54 =	vsub.f32 v27, v10;
	v61 =	vsel vm0, v23, v30;
	v55, v56, _ =	vpop (xrf1)  }
0xbd: {  	v57 =	vadd.f32 v36, v31;
	v20 =	vmul.f32 v20, v20;
	v36 =	vmul.f32 v43, v43  }
0xbe: {  	v54 =	vmul.f32 v54, v54;
	v34 =	vsub.f32 v34, v9;
	(xrf1) =	vsort.ascd.msk.f32 $0xffff, v61, v24;
	v58, v59, _ =	vpop (xrf1)  }
0xbf: {  	v46 =	vadd.f32 v20, v46;
	v20 =	vmul.f32 v29, v29;
	v19 =	vadd.f32 v19, v36;
	v60, v23, _ =	vpop (xrf1)  }
0xc0: {  	v24 =	vsel vm0, v57, v52;
	v52 =	vmul.f32 v34, v34;
	v61 =	vsel vm0, v48, v26;
	v26, v31, _ =	vpop (xrf1)  }
0xc1: {  	v62 =	vmul.f32 v39, v39;
	v43 =	vadd.f32 v20, v42;
	v21 =	vsel vm0, v21, v19;
	v42, v29, _ =	vpop (xrf1)  }
0xc2: {  	v39 =	vsel vm0, v48, v41;
	v63 =	vsel vm0, v23, v48;
	(xrf1) =	vsort.ascd.msk.f32 $0xffff, v21, v28  }
0xc3: {  	v36 =	vsel vm0, v48, v53;
	v21 =	vsel vm0, v43, v25;
	v25 =	vsel vm0, v18, v38  }
0xc4: {  	v50 =	vsel vm0, v50, v48;
	v49 =	vsel vm0, v49, v43;
	v28 =	vsel vm0, v19, v33;
	v19 =	vld [tilespmem:s28+$0x10];
	v34, v20, _ =	vpop (xrf1)  }
0xc5: {  	v43 =	vsel vm0, v46, v40;
	v23 =	vsel vm0, v48, v20;
	v20 =	vld [tilespmem:s26+$0x10];
	(xrf1) =	vsort.dscd.msk.f32 $0xffff, v28, v35  }
0xc6: {  	v53 =	vsel vm0, v60, v46;
	v28 =	vsel vm0, v30, v37;
	(xrf1) =	vsort.dscd.msk.f32 $0xffff, v21, v61  }
0xc7: {  	v33 =	vadd.f32 v62, v54;
	v30 =	vmul.f32 v51, v51;
	v21 =	vld [tilespmem:s26+$0x0];
	(xrf1) =	vsort.dscd.msk.f32 $0xffff, v28, v25  }
.Ltmp1:
0xc8: {  	v38 =	vsel vm0, v59, v48;
	v28 =	vsel vm0, v18, v45;
	v25 =	vsub.f32 v27, v7;
	(pc) =	sbr.rel @p0 .LBB2_5-.Ltmp1, $4  }
0xc9: {  	v41 =	vsel vm0, v33, v44;
	v33 =	vsel vm0, v55, v33;
	v35 =	vadd.f32 v52, v30;
	v27 =	vld [tilespmem:s28+$0x0]  }
0xca: {  	v37 =	vsel vm0, v58, v57;
	v46 =	vmul.f32 v25, v25;
	(xrf1) =	vsort.ascd.msk.f32 $0xffff, v49, v50  }
0xcb: {  	v40 =	vsel vm0, v47, v48;
	v44 =	vsub.f32 v19, v9;
	v47 =	vsub.f32 v20, v12  }
0xcc: {  	s26 =	sadd.s32 $0x40, s26;
	v25 =	vsel vm0, v56, v18;
	v45 =	vsub.f32 v19, v13;
	s28 =	sadd.s32 $0x40, s28;
	(xrf1) =	vsort.ascd.msk.f32 $0xffff, v53, v63;
	v30, v48, _ =	vpop (xrf1)  }
0xcd: {  	v31 =	vsel vm0, v18, v31;
	v49 =	vsub.f32 v21, v12;
	v50 =	vsub.f32 v20, v10  }
0xce: {  	v22 =	vadd.f32 v22, v46;
	v47 =	vmul.f32 v47, v47;
	(xrf1) =	vsort.dscd.msk.f32 $0xffff, v43, v39  }
0xcf: {  	s25 =	sadd.s32 $0x10, s24;
	v39 =	vsub.f32 v21, v7;
	v51 =	vsub.f32 v20, v16;
	v32 =	vsel vm0, v32, v35  }
0xd0: {  	v58 =	vsub.f32 v19, v15;
	v44 =	vmul.f32 v44, v44;
	v46 =	vor.u32 s25, v0  }
0xd1: {  	v54 =	vsub.f32 v27, v6;
	v55 =	vsub.f32 v27, v13;
	v26 =	vsel vm0, v22, v26  }
0xd2: {  	v57 =	vmul.f32 v45, v45;
	v43 =	vsel vm0, v48, v46;
	(xrf1) =	vsort.dscd.msk.f32 $0xffff, v26, v31  }
0xd3: {  	v63 =	vmul.f32 v50, v50;
	v22 =	vsel vm0, v42, v22;
	(xrf1) =	vsort.ascd.msk.f32 $0xffff, v32, v40  }
0xd4: {  	v49 =	vmul.f32 v49, v49;
	v60 =	vmul.f32 v51, v51;
	(xrf1) =	vsort.dscd.msk.f32 $0xffff, v41, v28  }
0xd5: {  	v39 =	vmul.f32 v39, v39;
	v48 =	vsub.f32 v27, v9;
	v56 =	vmul.f32 v54, v54  }
0xd6: {  	v59 =	vmul.f32 v55, v55;
	v31 =	vadd.f32 v57, v47;
	v28, v41, _ =	vpop (xrf1);
	(xrf1) =	vsort.dscd.msk.f32 $0xffff, v24, v36  }
0xd7: {  	v54 =	vsub.f32 v21, v10;
	v44 =	vadd.f32 v44, v63;
	(xrf1) =	vsort.ascd.msk.f32 $0xffff, v37, v38  }
0xd8: {  	v32 =	vmul.f32 v58, v58;
	v58 =	vsub.f32 v27, v15;
	(xrf1) =	vsort.ascd.msk.f32 $0xffff, v33, v25  }
0xd9: {  	v50 =	vsel vm0, v29, v18;
	v40 =	vadd.f32 v59, v49;
	v26 =	vadd.f32 v56, v39  }
0xda: {  	v49 =	vsel vm0, v35, v34;
	v59 =	vmul.f32 v54, v54;
	v61, v62, _ =	vpop (xrf1);
	v28 =	vsel vm0, v28, v31  }
0xdb: {  	v51 =	vadd.f32 v32, v60;
	v53 =	vsel vm0, v41, v46;
	v60 =	vsub.f32 v21, v16;
	v24, v36, _ =	vpop (xrf1)  }
0xdc: {  	v31 =	vsel vm0, v31, v61;
	v52 =	vsel vm0, v46, v62;
	v37, v38, _ =	vpop (xrf1);
	(xrf1) =	vsort.ascd.msk.f32 $0xffff, v22, v50  }
0xdd: {  	v47 =	vmul.f32 v58, v58;
	v24 =	vsel vm0, v26, v24;
	v29, v32, _ =	vpop (xrf1);
	(xrf1) =	vsort.dscd.msk.f32 $0xffff, v31, v52  }
0xde: {  	v18 =	vsel vm0, v30, v51;
	v63 =	vsel vm0, v46, v38;
	v38, v39, _ =	vpop (xrf1);
	(xrf1) =	vsort.ascd.msk.f32 $0xffff, v28, v53  }
0xdf: {  	v21 =	vmul.f32 v60, v60;
	v55 =	vsel vm0, v51, v37;
	v37 =	vor.u32 s24, v0;
	v57, v56, _ =	vpop (xrf1);
	(xrf1) =	vsort.ascd.msk.f32 $0xffff, v18, v43  }
0xe0: {  	v42 =	vsel vm0, v37, v36;
	(xrf1) =	vsort.dscd.msk.f32 $0xffff, v55, v63;
	v63 =	vmul.f32 v48, v48;
	v28, v41, _ =	vpop (xrf1)  }
0xe1: {  	v61 =	vsel vm0, v37, v56;
	v62 =	vsel vm0, v40, v57;
	(xrf1) =	vsort.dscd.msk.f32 $0xffff, v49, v23;
	v43, v45, _ =	vpop (xrf1)  }
0xe2: {  	v21 =	vadd.f32 v47, v21;
	(xrf1) =	vsort.dscd.msk.f32 $0xffff, v62, v61;
	v18 =	vadd.f32 v63, v59;
	v48, v49, _ =	vpop (xrf1)  }
0xe3: {  	(xrf1) =	vsort.dscd.msk.f32 $0xffff, v24, v42;
	v23 =	vsel vm0, v44, v48;
	v25 =	vsel vm0, v46, v49  }
0xe4: {  	v50 =	vsel vm0, v45, v37;
	v51 =	vsel vm0, v43, v18;
	v52, v53, _ =	vpop (xrf1);
	(xrf1) =	vsort.dscd.msk.f32 $0xffff, v23, v25  }
0xe5: {  	v54 =	vsel vm0, v29, v26;
	v55 =	vsel vm0, v32, v37;
	v26, v29, _ =	vpop (xrf1);
	(xrf1) =	vsort.ascd.msk.f32 $0xffff, v51, v50  }
0xe6: {  	v56 =	vsel vm0, v37, v53;
	v57 =	vsel vm0, v21, v52;
	v59, v58, _ =	vpop (xrf1);
	(xrf1) =	vsort.ascd.msk.f32 $0xffff, v54, v55  }
0xe7: {  	v60 =	vsel vm0, v59, v44;
	v61 =	vsel vm0, v58, v46;
	(xrf1) =	vsort.dscd.msk.f32 $0xffff, v57, v56  }
0xe8: {  	v21 =	vsel vm0, v26, v21;
	v62 =	vsel vm0, v29, v37;
	(xrf1) =	vsort.ascd.msk.f32 $0xffff, v60, v61  }
0xe9: {  	(xrf1) =	vsort.ascd.msk.f32 $0xffff, v21, v62  }
0xea: {  	v63, v26, _ =	vpop (xrf1)  }
0xeb: {  	v42, v43, _ =	vpop (xrf1)  }
0xec: {  	v44, v45, _ =	vpop (xrf1)  }
0xed: {  	v27, v29, _ =	vpop (xrf1)  }
0xee: {  	v36, v47, _ =	vpop (xrf1)  }
0xef: {  	v57, v56, _ =	vpop (xrf1)  }
0xf0: {  	v50, v51, _ =	vpop (xrf1)  }
0xf1: {  	v58 =	vsub.f32 v20, v7;
	v59 =	vsub.f32 v19, v6;
	v24, v22, _ =	vpop (xrf1)  }
0xf2: {  	v32, v30, _ =	vpop (xrf1)  }
0xf3: {  	v20 =	vmul.f32 v58, v58;
	v19 =	vmul.f32 v59, v59;
	v34, v31, _ =	vpop (xrf1)  }
0xf4: {  	v25, v23, _ =	vpop (xrf1)  }
0xf5: {  	v19 =	vadd.f32 v19, v20;
	v60, v52, _ =	vpop (xrf1)  }
0xf6: {  	v38 =	vsel vm0, v38, v40;
	v39 =	vsel vm0, v39, v37;
	v26 =	vsel vm0, v26, v46;
	v35, v33, _ =	vpop (xrf1)  }
0xf7: {  	v28 =	vsel vm0, v19, v28;
	v19 =	vsel vm0, v63, v19;
	vm1 =	veq.f32 v60, $0.0e+00;
	v63, v62, _ =	vpop (xrf1)  }
0xf8: {  	v61 =	vsel vm0, v46, v41;
	(xrf1) =	vsort.ascd.msk.f32 $0xffff, v38, v39;
	v20 =	vsel vm1, $0x7F61B1E6, v60;
	vm1 =	veq.f32 v63, $0.0e+00  }
0xf9: {  	v46 =	vsel vm0, v37, v56;
	(xrf1) =	vsort.dscd.msk.f32 $0xffff, v28, v61;
	v21 =	vsel vm1, $0x7F61B1E6, v63;
	vm1 =	veq.f32 v36, $0.0e+00  }
0xfa: {  	v18 =	vsel vm0, v18, v57;
	(xrf1) =	vsort.ascd.msk.f32 $0xffff, v19, v26;
	v48 =	vsel vm1, $0x7F61B1E6, v36;
	vm1 =	veq.f32 v27, $0.0e+00  }
0xfb: {  	(xrf1) =	vsort.dscd.msk.f32 $0xffff, v18, v46;
	v52 =	vsel vm0, v62, v52;
	v20 =	vsel vm0, v21, v20;
	v49 =	vsel vm1, $0x7F61B1E6, v27  }
0xfc: {  	v53 =	vsel vm0, v29, v47;
	(xrf1) =	vsort.dscd.msk.f32 $0xffff, v20, v52;
	v18 =	vsel vm0, v49, v48  }
0xfd: {  	(xrf1) =	vsort.ascd.msk.f32 $0xffff, v18, v53;
	_ =	sdelay $0x8  }
0xfe: {  	v55, v54, _ =	vpop (xrf1)  }
0xff: {  	v29, v26, _ =	vpop (xrf1)  }
0x100: {  	v28, v27, _ =	vpop (xrf1)  }
0x101: {  	v37, v36, _ =	vpop (xrf1)  }
0x102: {  	v56, v20, _ =	vpop (xrf1)  }
0x103: {  	v38, v39, _ =	vpop (xrf1)  }
0x104: {  	v18 =	vsel vm0, v38, v56;
	v20 =	vsel vm0, v39, v20  }
0x105: {  	(xrf1) =	vsort.dscd.msk.f32 $0xffff, v18, v20;
	_ =	sdelay $0xb  }
0x106: {  	v57 =	vmul.u32 $0xFFFFFFFF, v0;
	_ =	sdelay $0x1  }
0x107: {  	v20 =	vadd.s32 $0xF, v57;
	_, v58, _ =	vpop (xrf1)  }
0x108: {  	v38 =	vperm.xlane v58, v20  }
0x109: {  	v18 =	vshrl.u32 v0, $0x3  }
0x10a: {  	v59 =	vperm.xlane v38, v18;
	_ =	sdelay $0x5  }
0x10b: {  	v60 =	vld.idx.msk [tilespmem:v59+s2+$0x0], $0xffff  }
0x10c: {  	vm1 =	veq.f32 v50, $0.0e+00  }
0x10d: {  	v63 =	vsel vm1, $0x7F61B1E6, v50;
	vm1 =	veq.f32 v55, $0.0e+00;
	v61 =	vld.idx.msk [tilespmem:v59+s14+$0x0], $0xffff  }
0x10e: {  	v40 =	vld.idx.msk [tilespmem:v17+s12+$0x0], $0xffff;
	v19 =	vsel vm1, $0x7F61B1E6, v55;
	vm1 =	veq.f32 v42, $0.0e+00  }
0x10f: {  	v42 =	vsel vm1, $0x7F61B1E6, v42;
	vm1 =	veq.f32 v44, $0.0e+00;
	v62 =	vld.idx.msk [tilespmem:v59+s12+$0x0], $0xffff  }
0x110: {  	v21 =	vsel vm0, v54, v51;
	v49 =	vld.idx.msk [tilespmem:v17+s15+$0x0], $0xffff;
	v44 =	vsel vm1, $0x7F61B1E6, v44;
	v41 =	vsub.f32 v60, v16  }
0x111: {  	v52 =	vsel vm0, v45, v43;
	v19 =	vsel vm0, v19, v63;
	v51 =	vsel vm0, v44, v42;
	v39 =	vld.idx.msk [tilespmem:v59+s15+$0x0], $0xffff  }
0x112: {  	(xrf1) =	vsort.dscd.msk.f32 $0xffff, v19, v21;
	v46 =	vsub.f32 v61, v15;
	v41 =	vmul.f32 v41, v1  }
0x113: {  	(xrf1) =	vsort.ascd.msk.f32 $0xffff, v51, v52  }
0x114: {  	v50 =	vsub.f32 v62, v40;
	v53 =	vmul.f32 v46, v2;
	v41 =	vadd.f32 v41, v5;
	_ =	sdelay $0x1  }
0x115: {  	v54 =	vsub.f32 v39, v49;
	v17 =	vmul.f32 v50, v3;
	v55 =	vadd.f32 v53, v41  }
0x116: {  	v21 =	vor.u32 $0x2, v18  }
0x117: {  	v56 =	vperm.xlane v38, v21;
	v19 =	vmul.f32 v54, v4;
	v17 =	vadd.f32 v17, v55;
	_ =	sdelay $0x1  }
0x118: {  	v57 =	vld.idx.msk [tilespmem:v38+s2+$0x0], $0xffff;
	v17 =	vadd.f32 v19, v17  }
0x119: {  	s26 =	sshll.u32 s20, $0x8;
	v42 =	vld.idx.msk [tilespmem:v38+s14+$0x0], $0xffff  }
0x11a: {  	s24 =	sand.u32 $0x3FFFFF00, s26;
	v43 =	vld.idx.msk [tilespmem:v38+s12+$0x0], $0xffff;
	v17 =	vmax.f32 v17, $0.0e+00  }
0x11b: {  	v38 =	vld.idx.msk [tilespmem:v38+s15+$0x0], $0xffff;
	[tilespmem:s24+$0xA80] =	vst v17  }
0x11c: {  	v17 =	vld.idx.msk [tilespmem:v56+s2+$0x0], $0xffff;
	_ =	sdelay $0x1  }
0x11d: {  	v58 =	vld.idx.msk [tilespmem:v56+s14+$0x0], $0xffff  }
0x11e: {  	v59, v60, _ =	vpop (xrf1);
	v61 =	vld.idx.msk [tilespmem:v56+s12+$0x0], $0xffff  }
0x11f: {  	v62, v63, _ =	vpop (xrf1);
	v39 =	vld.idx.msk [tilespmem:v56+s15+$0x0], $0xffff  }
0x120: {  	v44 =	vsel vm0, v62, v59;
	v45 =	vsel vm0, v63, v60;
	v17 =	vsub.f32 v17, v16  }
0x121: {  	(xrf1) =	vsort.dscd.msk.f32 $0xffff, v44, v45  }
0x122: {  	v19 =	vsub.f32 v58, v15;
	v17 =	vmul.f32 v17, v1  }
0x123: {  	v51 =	vsub.f32 v61, v40  }
0x124: {  	v39 =	vsub.f32 v39, v49;
	v19 =	vmul.f32 v19, v2;
	v17 =	vadd.f32 v17, v5  }
0x125: {  	v44 =	vmul.f32 v51, v3  }
0x126: {  	v39 =	vmul.f32 v39, v4;
	v52 =	vadd.f32 v19, v17;
	v19 =	vor.u32 $0x4, v18  }
0x127: {  	v17 =	vor.u32 $0x6, v18;
	v53 =	vperm.xlane v57, v19;
	v54 =	vperm.xlane v42, v19  }
0x128: {  	v41 =	vperm.xlane v57, v17;
	v55 =	vperm.xlane v43, v19  }
0x129: {  	v56 =	vperm.xlane v38, v19;
	v58 =	vperm.xlane v42, v17;
	v46 =	vsub.f32 v53, v16  }
0x12a: {  	v62 =	vperm.xlane v43, v17;
	v38 =	vperm.xlane v38, v17;
	v57 =	vsub.f32 v41, v16  }
0x12b: {  	v44 =	vadd.f32 v44, v52;
	v45 =	vsub.f32 v54, v15;
	v46 =	vmul.f32 v46, v1  }
0x12c: {  	v59 =	vsub.f32 v55, v40;
	v61 =	vsub.f32 v58, v15;
	v16 =	vmul.f32 v57, v1  }
0x12d: {  	v60 =	vsub.f32 v56, v49;
	v45 =	vmul.f32 v45, v2;
	v63 =	vadd.f32 v46, v5  }
0x12e: {  	v40 =	vsub.f32 v62, v40;
	v15 =	vmul.f32 v61, v2;
	v16 =	vadd.f32 v16, v5  }
0x12f: {  	v38 =	vsub.f32 v38, v49;
	_, v49, _ =	vpop (xrf1);
	v42 =	vmul.f32 v59, v3;
	v48 =	vadd.f32 v45, v63  }
0x130: {  	v51 =	vperm.xlane v49, v20;
	v50 =	vmul.f32 v40, v3;
	v15 =	vadd.f32 v15, v16  }
0x131: {  	v39 =	vadd.f32 v39, v44;
	v52 =	vmul.f32 v60, v4;
	v41 =	vadd.f32 v42, v48  }
0x132: {  	v53 =	vmul.f32 v38, v4;
	v54 =	vperm.xlane v51, v18;
	v15 =	vadd.f32 v50, v15  }
0x133: {  	v41 =	vadd.f32 v52, v41  }
0x134: {  	v39 =	vmax.f32 v39, $0.0e+00;
	v15 =	vadd.f32 v53, v15  }
0x135: {  	[tilespmem:s24+$0xA90] =	vst v39;
	v55 =	vmax.f32 v41, $0.0e+00  }
0x136: {  	vm1 =	veq.f32 v37, $0.0e+00;
	v15 =	vmax.f32 v15, $0.0e+00;
	[tilespmem:s24+$0xAA0] =	vst v55  }
0x137: {  	v37 =	vsel vm1, $0x7F61B1E6, v37;
	vm1 =	veq.f32 v34, $0.0e+00;
	[tilespmem:s24+$0xAB0] =	vst v15  }
0x138: {  	v34 =	vsel vm1, $0x7F61B1E6, v34;
	vm1 =	veq.f32 v32, $0.0e+00;
	v15 =	vld.idx.msk [tilespmem:v54+s2+$0x0], $0xffff  }
0x139: {  	v32 =	vsel vm1, $0x7F61B1E6, v32;
	vm1 =	veq.f32 v35, $0.0e+00  }
0x13a: {  	v31 =	vsel vm0, v31, v36;
	v34 =	vsel vm0, v34, v37;
	v35 =	vsel vm1, $0x7F61B1E6, v35;
	v39 =	vld.idx.msk [tilespmem:v54+s14+$0x0], $0xffff  }
0x13b: {  	v30 =	vsel vm0, v33, v30;
	(xrf1) =	vsort.dscd.msk.f32 $0xffff, v34, v31;
	v57 =	vsel vm0, v35, v32;
	v16 =	vld.idx.msk [tilespmem:v14+s12+$0x0], $0xffff  }
0x13c: {  	(xrf1) =	vsort.ascd.msk.f32 $0xffff, v57, v30;
	v56 =	vld.idx.msk [tilespmem:v54+s12+$0x0], $0xffff  }
0x13d: {  	v14 =	vld.idx.msk [tilespmem:v14+s15+$0x0], $0xffff;
	v15 =	vsub.f32 v15, v12  }
0x13e: {  	v38 =	vld.idx.msk [tilespmem:v54+s15+$0x0], $0xffff  }
0x13f: {  	v39 =	vsub.f32 v39, v13;
	v15 =	vmul.f32 v15, v1;
	_ =	sdelay $0x1  }
0x140: {  	v41 =	vsub.f32 v56, v16;
	v39 =	vmul.f32 v39, v2;
	v15 =	vadd.f32 v15, v5;
	_ =	sdelay $0x1  }
0x141: {  	v58 =	vsub.f32 v38, v14;
	v59 =	vmul.f32 v41, v3;
	v15 =	vadd.f32 v39, v15;
	_ =	sdelay $0x1  }
0x142: {  	v60 =	vperm.xlane v51, v21;
	v30 =	vmul.f32 v58, v4;
	v15 =	vadd.f32 v59, v15;
	_ =	sdelay $0x1  }
0x143: {  	v61 =	vld.idx.msk [tilespmem:v51+s2+$0x0], $0xffff;
	v15 =	vadd.f32 v30, v15  }
0x144: {  	v62 =	vld.idx.msk [tilespmem:v51+s14+$0x0], $0xffff  }
0x145: {  	s23 =	sshll.u32 s23, $0x6;
	v47, v48, _ =	vpop (xrf1);
	v63 =	vld.idx.msk [tilespmem:v51+s12+$0x0], $0xffff;
	v15 =	vmax.f32 v15, $0.0e+00  }
0x146: {  	v44 =	vld.idx.msk [tilespmem:v51+s15+$0x0], $0xffff;
	v49, v50, _ =	vpop (xrf1);
	[tilespmem:s23+$0xA80] =	vst v15  }
0x147: {  	v37 =	vsel vm0, v49, v47;
	v38 =	vsel vm0, v50, v48;
	v15 =	vld.idx.msk [tilespmem:v60+s2+$0x0], $0xffff  }
0x148: {  	(xrf1) =	vsort.dscd.msk.f32 $0xffff, v37, v38;
	v46 =	vld.idx.msk [tilespmem:v60+s12+$0x0], $0xffff  }
0x149: {  	v45 =	vld.idx.msk [tilespmem:v60+s14+$0x0], $0xffff;
	_ =	sdelay $0x1  }
0x14a: {  	v52 =	vperm.xlane v61, v19;
	v53 =	vperm.xlane v62, v19  }
0x14b: {  	v32 =	vperm.xlane v61, v17;
	v54 =	vperm.xlane v63, v19;
	v15 =	vsub.f32 v15, v12  }
0x14c: {  	v56 =	vperm.xlane v62, v17;
	v61 =	vperm.xlane v44, v17;
	v36 =	vsub.f32 v46, v16  }
0x14d: {  	v57 =	vsub.f32 v54, v16;
	v31 =	vld.idx.msk [tilespmem:v60+s15+$0x0], $0xffff;
	v35 =	vsub.f32 v45, v13;
	v15 =	vmul.f32 v15, v1  }
0x14e: {  	v58 =	vperm.xlane v44, v19;
	v51 =	vmul.f32 v36, v3;
	v36 =	vsub.f32 v52, v12  }
0x14f: {  	v55 =	vsub.f32 v32, v12;
	v35 =	vmul.f32 v35, v2;
	v15 =	vadd.f32 v15, v5  }
0x150: {  	v62 =	vsub.f32 v58, v14;
	v33 =	vmul.f32 v57, v3;
	v36 =	vmul.f32 v36, v1  }
0x151: {  	v30 =	vperm.xlane v63, v17;
	v15 =	vadd.f32 v35, v15;
	v35 =	vsub.f32 v53, v13  }
0x152: {  	v59 =	vsub.f32 v56, v13;
	v31 =	vsub.f32 v31, v14;
	v12 =	vmul.f32 v55, v1  }
0x153: {  	v16 =	vsub.f32 v30, v16;
	v60 =	vadd.f32 v36, v5;
	v35 =	vmul.f32 v35, v2  }
0x154: {  	v14 =	vsub.f32 v61, v14;
	v12 =	vadd.f32 v12, v5;
	v13 =	vmul.f32 v59, v2  }
0x155: {  	v31 =	vmul.f32 v31, v4;
	v63 =	vmul.f32 v16, v3;
	_, v36, _ =	vpop (xrf1);
	v32 =	vadd.f32 v35, v60  }
0x156: {  	v15 =	vadd.f32 v51, v15;
	v12 =	vadd.f32 v13, v12;
	v16 =	vperm.xlane v36, v20  }
0x157: {  	v38 =	vmul.f32 v62, v4;
	v39 =	vmul.f32 v14, v4;
	v37 =	vadd.f32 v33, v32  }
0x158: {  	v15 =	vadd.f32 v31, v15;
	v12 =	vadd.f32 v63, v12;
	v41 =	vperm.xlane v16, v18  }
0x159: {  	v40 =	vadd.f32 v38, v37  }
0x15a: {  	s28 =	sor.u32 $0x50, s23;
	vm1 =	veq.f32 v24, $0.0e+00;
	v15 =	vmax.f32 v15, $0.0e+00;
	v12 =	vadd.f32 v39, v12  }
0x15b: {  	s29 =	sor.u32 $0x60, s23;
	v24 =	vsel vm1, $0x7F61B1E6, v24;
	vm1 =	veq.f32 v25, $0.0e+00;
	[tilespmem:s28+$0xA80] =	vst v15;
	v42 =	vmax.f32 v40, $0.0e+00  }
0x15c: {  	v25 =	vsel vm1, $0x7F61B1E6, v25;
	vm1 =	veq.f32 v29, $0.0e+00;
	s23 =	sor.u32 $0x70, s23;
	v12 =	vmax.f32 v12, $0.0e+00;
	[tilespmem:s29+$0xA80] =	vst v42  }
0x15d: {  	v29 =	vsel vm1, $0x7F61B1E6, v29;
	vm1 =	veq.f32 v28, $0.0e+00;
	[tilespmem:s23+$0xA80] =	vst v12  }
0x15e: {  	v22 =	vsel vm0, v23, v22;
	v24 =	vsel vm0, v25, v24;
	v28 =	vsel vm1, $0x7F61B1E6, v28;
	v13 =	vld.idx.msk [tilespmem:v41+s2+$0x0], $0xffff  }
0x15f: {  	(xrf1) =	vsort.dscd.msk.f32 $0xffff, v24, v22;
	v45 =	vsel vm0, v28, v29;
	v46 =	vsel vm0, v27, v26  }
0x160: {  	(xrf1) =	vsort.ascd.msk.f32 $0xffff, v45, v46;
	v43 =	vld.idx.msk [tilespmem:v41+s14+$0x0], $0xffff  }
0x161: {  	v12 =	vld.idx.msk [tilespmem:v11+s12+$0x0], $0xffff  }
0x162: {  	v15 =	vld.idx.msk [tilespmem:v41+s12+$0x0], $0xffff  }
0x163: {  	v44 =	vld.idx.msk [tilespmem:v11+s15+$0x0], $0xffff;
	v13 =	vsub.f32 v13, v10  }
0x164: {  	v30 =	vld.idx.msk [tilespmem:v41+s15+$0x0], $0xffff  }
0x165: {  	v14 =	vsub.f32 v43, v9;
	v13 =	vmul.f32 v13, v1;
	_ =	sdelay $0x1  }
0x166: {  	v15 =	vsub.f32 v15, v12;
	v14 =	vmul.f32 v14, v2;
	v13 =	vadd.f32 v13, v5;
	_ =	sdelay $0x1  }
0x167: {  	v47 =	vsub.f32 v30, v44;
	v48 =	vmul.f32 v15, v3;
	v13 =	vadd.f32 v14, v13;
	_ =	sdelay $0x1  }
0x168: {  	v50 =	vperm.xlane v16, v21;
	v49 =	vmul.f32 v47, v4;
	v13 =	vadd.f32 v48, v13;
	_ =	sdelay $0x1  }
0x169: {  	v55, v56, _ =	vpop (xrf1);
	v51 =	vld.idx.msk [tilespmem:v16+s2+$0x0], $0xffff;
	v13 =	vadd.f32 v49, v13  }
0x16a: {  	s22 =	sshll.u32 s22, $0x6;
	v52 =	vld.idx.msk [tilespmem:v16+s14+$0x0], $0xffff;
	v28, v29, _ =	vpop (xrf1)  }
0x16b: {  	s22 =	sand.u32 $0x3FFFFFC0, s22;
	v53 =	vld.idx.msk [tilespmem:v16+s12+$0x0], $0xffff;
	v25 =	vsel vm0, v28, v55;
	v26 =	vsel vm0, v29, v56;
	v13 =	vmax.f32 v13, $0.0e+00  }
0x16c: {  	v16 =	vld.idx.msk [tilespmem:v16+s15+$0x0], $0xffff;
	(xrf1) =	vsort.dscd.msk.f32 $0xffff, v25, v26;
	[tilespmem:s22+$0xA80] =	vst v13  }
0x16d: {  	v13 =	vld.idx.msk [tilespmem:v50+s2+$0x0], $0xffff;
	_ =	sdelay $0x1  }
0x16e: {  	v60 =	vperm.xlane v51, v19;
	v54 =	vld.idx.msk [tilespmem:v50+s14+$0x0], $0xffff  }
0x16f: {  	v61 =	vperm.xlane v52, v19;
	v22 =	vperm.xlane v51, v17  }
0x170: {  	v62 =	vperm.xlane v53, v19;
	v63 =	vperm.xlane v16, v19  }
0x171: {  	v29 =	vperm.xlane v52, v17;
	v25 =	vsub.f32 v60, v10;
	v57 =	vld.idx.msk [tilespmem:v50+s12+$0x0], $0xffff;
	v13 =	vsub.f32 v13, v10  }
0x172: {  	v16 =	vperm.xlane v16, v17;
	v28 =	vsub.f32 v22, v10;
	v30 =	vsub.f32 v62, v12  }
0x173: {  	v31 =	vsub.f32 v63, v44;
	v24 =	vsub.f32 v54, v9;
	v13 =	vmul.f32 v13, v1  }
0x174: {  	v32 =	vsub.f32 v29, v9;
	v11 =	vsub.f32 v16, v44;
	v25 =	vmul.f32 v25, v1;
	v15 =	vld.idx.msk [tilespmem:v50+s15+$0x0], $0xffff  }
0x175: {  	v14 =	vperm.xlane v53, v17;
	v24 =	vmul.f32 v24, v2;
	v13 =	vadd.f32 v13, v5  }
0x176: {  	v33 =	vadd.f32 v25, v5;
	v58 =	vsub.f32 v57, v12;
	v10 =	vmul.f32 v28, v1  }
0x177: {  	v35 =	vmul.f32 v30, v3;
	v13 =	vadd.f32 v24, v13;
	v24 =	vsub.f32 v61, v9  }
0x178: {  	v12 =	vsub.f32 v14, v12;
	v10 =	vadd.f32 v10, v5;
	v9 =	vmul.f32 v32, v2  }
0x179: {  	_, v36, _ =	vpop (xrf1);
	v15 =	vsub.f32 v15, v44;
	v59 =	vmul.f32 v58, v3;
	v24 =	vmul.f32 v24, v2  }
0x17a: {  	v38 =	vperm.xlane v36, v20;
	v37 =	vmul.f32 v12, v3;
	v9 =	vadd.f32 v9, v10  }
0x17b: {  	v15 =	vmul.f32 v15, v4;
	v13 =	vadd.f32 v59, v13;
	v34 =	vadd.f32 v24, v33  }
0x17c: {  	v39 =	vmul.f32 v31, v4;
	v40 =	vmul.f32 v11, v4;
	v9 =	vadd.f32 v37, v9  }
0x17d: {  	v41 =	vperm.xlane v38, v18;
	v13 =	vadd.f32 v15, v13;
	v14 =	vadd.f32 v35, v34  }
0x17e: {  	v9 =	vadd.f32 v40, v9  }
0x17f: {  	v13 =	vmax.f32 v13, $0.0e+00;
	v14 =	vadd.f32 v39, v14  }
0x180: {  	[tilespmem:s22+$0xA90] =	vst v13;
	v9 =	vmax.f32 v9, $0.0e+00  }
0x181: {  	[tilespmem:s22+$0xAB0] =	vst v9;
	v42 =	vmax.f32 v14, $0.0e+00  }
0x182: {  	[tilespmem:s22+$0xAA0] =	vst v42  }
0x183: {  	v9 =	vld.idx.msk [tilespmem:v41+s2+$0x0], $0xffff;
	_ =	sdelay $0x1  }
0x184: {  	v10 =	vld.idx.msk [tilespmem:v41+s14+$0x0], $0xffff  }
0x185: {  	v13 =	vld.idx.msk [tilespmem:v8+s12+$0x0], $0xffff  }
0x186: {  	v43 =	vld.idx.msk [tilespmem:v41+s12+$0x0], $0xffff  }
0x187: {  	v44 =	vld.idx.msk [tilespmem:v8+s15+$0x0], $0xffff;
	v9 =	vsub.f32 v9, v7  }
0x188: {  	v11 =	vld.idx.msk [tilespmem:v41+s15+$0x0], $0xffff  }
0x189: {  	v10 =	vsub.f32 v10, v6;
	v9 =	vmul.f32 v9, v1;
	_ =	sdelay $0x1  }
0x18a: {  	v14 =	vsub.f32 v43, v13;
	v10 =	vmul.f32 v10, v2;
	v9 =	vadd.f32 v9, v5;
	_ =	sdelay $0x1  }
0x18b: {  	v11 =	vsub.f32 v11, v44;
	v45 =	vmul.f32 v14, v3;
	v9 =	vadd.f32 v10, v9;
	_ =	sdelay $0x1  }
0x18c: {  	v47 =	vperm.xlane v38, v21;
	v46 =	vmul.f32 v11, v4;
	v9 =	vadd.f32 v45, v9;
	_ =	sdelay $0x1  }
0x18d: {  	v48 =	vld.idx.msk [tilespmem:v38+s2+$0x0], $0xffff;
	v9 =	vadd.f32 v46, v9  }
0x18e: {  	v49 =	vld.idx.msk [tilespmem:v38+s14+$0x0], $0xffff  }
0x18f: {  	s21 =	sshll.u32 s21, $0x6;
	v50 =	vld.idx.msk [tilespmem:v38+s12+$0x0], $0xffff;
	v9 =	vmax.f32 v9, $0.0e+00  }
0x190: {  	v12 =	vld.idx.msk [tilespmem:v38+s15+$0x0], $0xffff;
	[tilespmem:s21+$0xA80] =	vst v9  }
0x191: {  	v9 =	vld.idx.msk [tilespmem:v47+s2+$0x0], $0xffff  }
0x192: {  	v51 =	vld.idx.msk [tilespmem:v47+s14+$0x0], $0xffff  }
0x193: {  	v52 =	vld.idx.msk [tilespmem:v47+s12+$0x0], $0xffff;
	_ =	sdelay $0x1  }
0x194: {  	v54 =	vperm.xlane v48, v19  }
0x195: {  	v55 =	vperm.xlane v49, v19;
	v56 =	vperm.xlane v50, v19;
	v9 =	vsub.f32 v9, v7  }
0x196: {  	v19 =	vperm.xlane v12, v19;
	v12 =	vperm.xlane v12, v17;
	v16 =	vsub.f32 v51, v6  }
0x197: {  	v14 =	vperm.xlane v48, v17;
	v18 =	vsub.f32 v52, v13;
	v9 =	vmul.f32 v9, v1  }
0x198: {  	v58 =	vsub.f32 v56, v13;
	v60 =	vsub.f32 v19, v44;
	v11 =	vld.idx.msk [tilespmem:v47+s15+$0x0], $0xffff;
	v16 =	vmul.f32 v16, v2  }
0x199: {  	v53 =	vmul.f32 v18, v3;
	v18 =	vsub.f32 v54, v7;
	v9 =	vadd.f32 v9, v5  }
0x19a: {  	v57 =	vperm.xlane v49, v17;
	v8 =	vsub.f32 v12, v44;
	v7 =	vsub.f32 v14, v7  }
0x19b: {  	v18 =	vmul.f32 v18, v1;
	v9 =	vadd.f32 v16, v9;
	v16 =	vsub.f32 v55, v6  }
0x19c: {  	v10 =	vperm.xlane v50, v17;
	v7 =	vmul.f32 v7, v1;
	v6 =	vsub.f32 v57, v6  }
0x19d: {  	v11 =	vsub.f32 v11, v44;
	v59 =	vadd.f32 v18, v5;
	v16 =	vmul.f32 v16, v2  }
0x19e: {  	v10 =	vsub.f32 v10, v13;
	v7 =	vadd.f32 v7, v5;
	v6 =	vmul.f32 v6, v2  }
0x19f: {  	v15 =	vmul.f32 v58, v3;
	v11 =	vmul.f32 v11, v4;
	v14 =	vadd.f32 v16, v59  }
0x1a0: {  	v9 =	vadd.f32 v53, v9;
	v6 =	vadd.f32 v6, v7;
	v7 =	vmul.f32 v10, v3  }
0x1a1: {  	s20 =	sadd.s32 $0x1, s20;
	v62 =	vmul.f32 v60, v4;
	v61 =	vadd.f32 v15, v14  }
0x1a2: {  	p0 =	sne.s32 s20, $0x80;
	v9 =	vadd.f32 v11, v9;
	v6 =	vadd.f32 v7, v6;
	v7 =	vmul.f32 v8, v4  }
.Ltmp2:
0x1a3: {  	v63 =	vadd.f32 v62, v61;
	(pc) =	sbr.rel @p0 .LBB2_4-.Ltmp2, $4  }
0x1a4: {  	s30 =	sor.u32 $0x50, s21;
	v9 =	vmax.f32 v9, $0.0e+00;
	v6 =	vadd.f32 v7, v6  }
0x1a5: {  	s31 =	sor.u32 $0x60, s21;
	[tilespmem:s30+$0xA80] =	vst v9;
	v7 =	vmax.f32 v63, $0.0e+00  }
0x1a6: {  	s21 =	sor.u32 $0x70, s21;
	v6 =	vmax.f32 v6, $0.0e+00;
	[tilespmem:s31+$0xA80] =	vst v7  }
0x1a7: {  	[tilespmem:s21+$0xA80] =	vst v6  }
0x1a8: {  	s19 =	sadd.s32 $0x1, s19  }
0x1a9: {  	p0 =	sne.s32 s19, s10  }
.Ltmp3:
0x1aa: {  	_ = 	snop;
	(pc) =	sbr.rel @p0 .LBB2_1-.Ltmp3, $4  }
0x1ab: {  	[hbm4b:s9+s2] =	stream.linear.scatter [tilespmem:s18], [sflag:$0x1], $0x8000, $0x38;
	[tilespmem:$0x8A80] =	vst v63  }
0x1ac: {  	_ =	swait.ge [sflag:s13], $0x8000  }
0x1ad: {  	[sflag:s13] =	ssyncset.done $0x0  }
0x1ae: {  	[sflag:s13] =	ssyncadd.s32 $0xFFFF8000  }
0x1af: {  	_ =	sfence.sel $0x180000  }
0x1b0: {  	[bflag:$0x0] =	sbarrier.arrive $0xFFFF  }
0x1b1: {  	p0 =	sne.s32 s0, $0x0;
	_ =	strace $0x90000047  }
0x1b2: {  	s0 =	sadd.s32 @!p0 $0x100000, s1;
	[bflag:$0x2] =	sbarrier.arrive $0xFFFF  }
0x1b3: {  	[sflag:s0] =	ssyncadd.tile.s32 @!p0 $0x1;
	_ =	shalt  }
.Lfunc_end2:
_tile_overlayer_lowered:
.L_overlay_start_2:
0x1b4: {  	(tag) =	ssettag $0x2  }
0x1b5: {  	s0 =	rddreg [dreg:$0x0];
	s2 =	stileid.u32  }
0x1b6: {  	s1 =	rddreg [dreg:$0x1];
	p0 =	sne.s32 s2, $0x0  }
0x1b7: {  	s3 =	rddreg [dreg:$0x2];
	[bflag:$0x3] =	sbarrier.arrive $0xFFFF;
	s2 =	simm.s32 @!p0 $0x1C01  }
0x1b8: {  	[timem:s3], [sflag:s2] =	dma.local @!p0 [hbm:s0], s1  }
0x1b9: {  	s0 =	simm.s32 @!p0 $0x1  }
0x1ba: {  	_ =	swait.ge @!p0 [sflag:s0], s1  }
0x1bb: {  	s1 =	ssub.s32 @!p0 $0x0, s1;
	[sflag:s0] =	ssyncset.done @!p0 $0x0  }
0x1bc: {  	[sflag:s0] =	ssyncadd.s32 @!p0 s1  }
0x1bd: {  	[bflag:$0x3] =	sbarrier.arrive $0xFFFF  }
0x1be: {  	_ =	shalt  }

</sc_bundles>
